<compile_context>
chip_gen: v7x
topology: tpu7x:2x2x1
jax: 0.10.2.dev20260603
libtpu: 0.0.44.dev20260713+nightly
codegen_flags: <defaults>
</compile_context>

<pallas_src>
import functools

import jax
import jax.numpy as jnp
from jax import lax
from jax.experimental import pallas as pl
from jax.experimental.pallas import tpu as pltpu
from jax.experimental.pallas import tpu_sc as plsc

_L = 16
_H = 8


@jax.jit
def _gather(tbl, idx0, idx1):
    info = plsc.get_sparse_core_info()
    nc, ns = info.num_cores, info.num_subcores
    nw = nc * ns
    batch = idx0.shape[0]
    d = 32
    b_per_w = batch // nw
    n_chunks = b_per_w // _L

    idx0_r = idx0.reshape(nw, b_per_w)
    idx1_r = idx1.reshape(nw, b_per_w)

    mesh = plsc.VectorSubcoreMesh(core_axis_name="c", subcore_axis_name="s")

    @functools.partial(
        pl.kernel,
        mesh=mesh,
        out_type=jax.ShapeDtypeStruct((batch, d), jnp.float32),
        compiler_params=pltpu.CompilerParams(needs_layout_passes=False),
        scratch_types=[
            pltpu.VMEM((b_per_w,), jnp.int32),
            pltpu.VMEM((b_per_w,), jnp.int32),
            pltpu.VMEM((_L, d, 128), jnp.float32),
            pltpu.VMEM((_L, d), jnp.float32),
            pltpu.SemaphoreType.DMA,
            pltpu.SemaphoreType.DMA,
            pltpu.SemaphoreType.DMA,
        ],
    )
    def k(tbl_hbm, idx0_hbm, idx1_hbm, out_hbm,
          i0_v, i1_v, staged, outbuf, sem_a, sem_b, sem_o):
        wid = lax.axis_index("s") * nc + lax.axis_index("c")
        pltpu.sync_copy(idx0_hbm.at[wid], i0_v)
        pltpu.sync_copy(idx1_hbm.at[wid], i1_v)

        iota = lax.iota(jnp.int32, _L)

        def load_vecs(ci):
            base = ci * _L
            return i0_v[pl.ds(base, _L)], i1_v[pl.ds(base, _L)]

        def issue(t_vec, r_vec, off, sem):
            for j in range(_H):
                t = t_vec[off + j]
                r = r_vec[off + j]
                col = pl.multiple_of((r >> 7) << 7, 128)
                row0 = pl.multiple_of(t * d, d)
                pltpu.async_copy(
                    tbl_hbm.at[pl.ds(row0, d), pl.ds(col, 128)],
                    staged.at[off + j],
                    sem,
                )

        def drain(off, sem):
            for j in range(_H):
                pltpu.make_async_copy(
                    tbl_hbm.at[pl.ds(0, d), pl.ds(0, 128)],
                    staged.at[off + j],
                    sem,
                ).wait()

        def select(r_vec, off):
            lane_vec = r_vec & 127
            for j in range(_H):
                lane_v = jnp.full((_L,), lane_vec[off + j], jnp.int32)
                s_v = jnp.full((_L,), off + j, jnp.int32)
                for h in range(d // _L):
                    c_v = iota + h * _L
                    vals = plsc.load_gather(staged, [s_v, c_v, lane_v])
                    outbuf[off + j, pl.ds(h * _L, _L)] = vals

        t0, r0 = load_vecs(0)
        issue(t0, r0, 0, sem_a)
        issue(t0, r0, _H, sem_b)

        def body(ci, carry):
            t_vec, r_vec = carry
            nxt = jnp.minimum(ci + 1, n_chunks - 1)
            t_n, r_n = load_vecs(nxt)

            drain(0, sem_a)
            select(r_vec, 0)

            @pl.when(ci + 1 < n_chunks)
            def _():
                issue(t_n, r_n, 0, sem_a)

            drain(_H, sem_b)
            select(r_vec, _H)

            @pl.when(ci + 1 < n_chunks)
            def _():
                issue(t_n, r_n, _H, sem_b)

            out_row = pl.multiple_of(wid * b_per_w + ci * _L, _L)
            pltpu.async_copy(
                outbuf, out_hbm.at[pl.ds(out_row, _L)], sem_o
            ).wait()
            return t_n, r_n

        lax.fori_loop(0, n_chunks, body, (t0, r0))

    return k(tbl, idx0_r, idx1_r)


def kernel(train_table, indices):
    n_tables, vocab, d = train_table.shape
    tbl = jnp.transpose(train_table, (0, 2, 1)).reshape(n_tables * d, vocab)
    idx0 = indices[:, 0].astype(jnp.int32)
    idx1 = indices[:, 1].astype(jnp.int32)
    return _gather(tbl, idx0, idx1)

# --- scband reference (transcript-rebuilt; emitter-appended) ---
"""Pipeline reference for scband-lt-2353642078902 (READ-ONLY COPY).

The authoritative reference and input builder live on the scoring server;
editing this copy changes nothing except your own understanding.
"""

import jax, jax.numpy as jnp
import numpy as np


def setup_inputs(seed: int = 0) -> dict:
    key = jax.random.key(seed)
    k_table, k_idx0, k_idx1 = jax.random.split(key, 3)
    n_tables, vocab, embed_dim = 26, 100000, 32
    batch = 16384
    train_table = jax.random.normal(k_table, (n_tables, vocab, embed_dim), dtype=jnp.float32)
    idx0 = jax.random.randint(k_idx0, (batch,), 0, n_tables, dtype=jnp.int64) if jax.config.jax_enable_x64 else jax.random.randint(k_idx0, (batch,), 0, n_tables).astype(jnp.int32)
    idx1 = jax.random.randint(k_idx1, (batch,), 0, vocab).astype(idx0.dtype)
    indices = jnp.stack([idx0, idx1], axis=1)
    return {"train_table": train_table, "indices": indices}


def reference(train_table, indices):
    # Faithful translation of LT.forward: x = train_table[indices[:, 0], indices[:, 1]]
    x = train_table[indices[:, 0], indices[:, 1]]
    return x

if __name__ == "__main__":
    import jax
    _d = setup_inputs()
    print(jax.jit(kernel)(*tuple(_d.values())))

</pallas_src>

<mosaic_0001>
#map = affine_map<(d0, d1) -> (0, 0)>
module attributes {stable_mosaic.version = 14 : i64} {
  func.func @k(%arg0: i32, %arg1: i32, %arg2: memref<832x100000xf32, #tpu.memory_space<hbm>>, %arg3: memref<32x512xi32, #tpu.memory_space<hbm>>, %arg4: memref<32x512xi32, #tpu.memory_space<hbm>>, %arg5: memref<16384x32xf32, #tpu.memory_space<hbm>>, %arg6: memref<512xi32, #tpu.memory_space<vmem>>, %arg7: memref<512xi32, #tpu.memory_space<vmem>>, %arg8: memref<16x32x128xf32, #tpu.memory_space<vmem>>, %arg9: memref<16x32xf32, #tpu.memory_space<vmem>>, %arg10: memref<!tpu.dma_semaphore, #tpu.memory_space<semaphore_mem>>, %arg11: memref<!tpu.dma_semaphore, #tpu.memory_space<semaphore_mem>>, %arg12: memref<!tpu.dma_semaphore, #tpu.memory_space<semaphore_mem>>) attributes {dimension_semantics = [#tpu.dimension_semantics<core_parallel>, #tpu.dimension_semantics<subcore_parallel>], iteration_bounds = array<i64: 2, 16>, scalar_prefetch = 0 : i64, scratch_operands = 7 : i64, tpu.core_type = #tpu.core_type<sc_vector_subcore>, window_params = [{transform_indices = #map}, {transform_indices = #map}, {transform_indices = #map}, {transform_indices = #map}]} {
    %mul3A = arith.constant 2 : i32
    %mul3A_0 = arith.muli %arg1, %mul3A : i32
    %add3A = arith.addi %mul3A_0, %arg0 : i32
    "tpu.region"() ({
      %run_scoped3A = tpu.sem_alloc : memref<!tpu.dma_semaphore, #tpu.memory_space<semaphore_mem>>
      %dma_start3A_371 = arith.constant 0 : i32
      %dma_start3A_372 = tpu.memref_slice %arg3[%add3A, %dma_start3A_371] : memref<32x512xi32, #tpu.memory_space<hbm>> -> memref<1x512xi32, #tpu.memory_space<hbm>>
      %dma_start3A_373 = tpu.memref_squeeze %dma_start3A_372 : memref<1x512xi32, #tpu.memory_space<hbm>> -> memref<512xi32, #tpu.memory_space<hbm>>
      %dma_start3A_374 = arith.constant 0 : i32
      %dma_start3A_375 = tpu.memref_slice %arg3[%add3A, %dma_start3A_374] : memref<32x512xi32, #tpu.memory_space<hbm>> -> memref<1x512xi32, #tpu.memory_space<hbm>>
      %dma_start3A_376 = tpu.memref_squeeze %dma_start3A_375 : memref<1x512xi32, #tpu.memory_space<hbm>> -> memref<512xi32, #tpu.memory_space<hbm>>
      tpu.enqueue_dma source(%dma_start3A_376 : memref<512xi32, #tpu.memory_space<hbm>>) target(%arg6 : memref<512xi32, #tpu.memory_space<vmem>>) target_semaphore(%run_scoped3A : memref<!tpu.dma_semaphore, #tpu.memory_space<semaphore_mem>>)
      %dma_wait3A = arith.constant 0 : i32
      %dma_wait3A_377 = tpu.memref_slice %arg3[%add3A, %dma_wait3A] : memref<32x512xi32, #tpu.memory_space<hbm>> -> memref<1x512xi32, #tpu.memory_space<hbm>>
      %dma_wait3A_378 = tpu.memref_squeeze %dma_wait3A_377 : memref<1x512xi32, #tpu.memory_space<hbm>> -> memref<512xi32, #tpu.memory_space<hbm>>
      %dma_wait3A_379 = arith.constant 0 : i32
      %dma_wait3A_380 = tpu.memref_slice %arg3[%add3A, %dma_wait3A_379] : memref<32x512xi32, #tpu.memory_space<hbm>> -> memref<1x512xi32, #tpu.memory_space<hbm>>
      %dma_wait3A_381 = tpu.memref_squeeze %dma_wait3A_380 : memref<1x512xi32, #tpu.memory_space<hbm>> -> memref<512xi32, #tpu.memory_space<hbm>>
      tpu.wait_dma2 semaphore(%run_scoped3A : memref<!tpu.dma_semaphore, #tpu.memory_space<semaphore_mem>>) src(%dma_wait3A_381 : memref<512xi32, #tpu.memory_space<hbm>>) dst(%arg6 : memref<512xi32, #tpu.memory_space<vmem>>)
      tpu.yield
    }) : () -> ()
    "tpu.region"() ({
      %run_scoped3A = tpu.sem_alloc : memref<!tpu.dma_semaphore, #tpu.memory_space<semaphore_mem>>
      %dma_start3A_371 = arith.constant 0 : i32
      %dma_start3A_372 = tpu.memref_slice %arg4[%add3A, %dma_start3A_371] : memref<32x512xi32, #tpu.memory_space<hbm>> -> memref<1x512xi32, #tpu.memory_space<hbm>>
      %dma_start3A_373 = tpu.memref_squeeze %dma_start3A_372 : memref<1x512xi32, #tpu.memory_space<hbm>> -> memref<512xi32, #tpu.memory_space<hbm>>
      %dma_start3A_374 = arith.constant 0 : i32
      %dma_start3A_375 = tpu.memref_slice %arg4[%add3A, %dma_start3A_374] : memref<32x512xi32, #tpu.memory_space<hbm>> -> memref<1x512xi32, #tpu.memory_space<hbm>>
      %dma_start3A_376 = tpu.memref_squeeze %dma_start3A_375 : memref<1x512xi32, #tpu.memory_space<hbm>> -> memref<512xi32, #tpu.memory_space<hbm>>
      tpu.enqueue_dma source(%dma_start3A_376 : memref<512xi32, #tpu.memory_space<hbm>>) target(%arg7 : memref<512xi32, #tpu.memory_space<vmem>>) target_semaphore(%run_scoped3A : memref<!tpu.dma_semaphore, #tpu.memory_space<semaphore_mem>>)
      %dma_wait3A = arith.constant 0 : i32
      %dma_wait3A_377 = tpu.memref_slice %arg4[%add3A, %dma_wait3A] : memref<32x512xi32, #tpu.memory_space<hbm>> -> memref<1x512xi32, #tpu.memory_space<hbm>>
      %dma_wait3A_378 = tpu.memref_squeeze %dma_wait3A_377 : memref<1x512xi32, #tpu.memory_space<hbm>> -> memref<512xi32, #tpu.memory_space<hbm>>
      %dma_wait3A_379 = arith.constant 0 : i32
      %dma_wait3A_380 = tpu.memref_slice %arg4[%add3A, %dma_wait3A_379] : memref<32x512xi32, #tpu.memory_space<hbm>> -> memref<1x512xi32, #tpu.memory_space<hbm>>
      %dma_wait3A_381 = tpu.memref_squeeze %dma_wait3A_380 : memref<1x512xi32, #tpu.memory_space<hbm>> -> memref<512xi32, #tpu.memory_space<hbm>>
      tpu.wait_dma2 semaphore(%run_scoped3A : memref<!tpu.dma_semaphore, #tpu.memory_space<semaphore_mem>>) src(%dma_wait3A_381 : memref<512xi32, #tpu.memory_space<hbm>>) dst(%arg7 : memref<512xi32, #tpu.memory_space<vmem>>)
      tpu.yield
    }) : () -> ()
    %iota3A = tpu.iota {dimensions = array<i32: 0>} : vector<16xi32>
    %get3A = arith.constant 0 : index
    %get3A_1 = tpu.vector_load %arg6[%get3A] {strides = array<i32>} : memref<512xi32, #tpu.memory_space<vmem>>, vector<16xi32>,
    %get3A_2 = arith.constant 0 : index
    %get3A_3 = tpu.vector_load %arg7[%get3A_2] {strides = array<i32>} : memref<512xi32, #tpu.memory_space<vmem>>, vector<16xi32>,
    %slice3A = vector.extract_strided_slice %get3A_1 {offsets = [0], sizes = [1], strides = [1]} : vector<16xi32> to vector<1xi32>
    %squeeze3A = vector.extract %slice3A[0] : i32 from vector<1xi32>
    %slice3A_4 = vector.extract_strided_slice %get3A_3 {offsets = [0], sizes = [1], strides = [1]} : vector<16xi32> to vector<1xi32>
    %squeeze3A_5 = vector.extract %slice3A_4[0] : i32 from vector<1xi32>
    %shift_right_arithmetic3A = arith.constant 7 : i32
    %shift_right_arithmetic3A_6 = arith.shrsi %squeeze3A_5, %shift_right_arithmetic3A : i32
    %shift_left3A = arith.constant 7 : i32
    %shift_left3A_7 = arith.shli %shift_right_arithmetic3A_6, %shift_left3A : i32
    %multiple_of3A = tpu.assume_multiple %shift_left3A_7, 128 : i32
    %mul3A_8 = arith.constant 32 : i32
    %mul3A_9 = arith.muli %squeeze3A, %mul3A_8 : i32
    %multiple_of3A_10 = tpu.assume_multiple %mul3A_9, 32 : i32
    %dma_start3A = arith.constant 0 : i32
    %dma_start3A_11 = arith.constant 0 : i32
    %dma_start3A_12 = arith.constant 0 : i32
    %dma_start3A_13 = tpu.memref_slice %arg8[%dma_start3A, %dma_start3A_11, %dma_start3A_12] : memref<16x32x128xf32, #tpu.memory_space<vmem>> -> memref<1x32x128xf32, #tpu.memory_space<vmem>>
    %dma_start3A_14 = tpu.memref_squeeze %dma_start3A_13 : memref<1x32x128xf32, #tpu.memory_space<vmem>> -> memref<32x128xf32, #tpu.memory_space<vmem>>
    %dma_start3A_15 = tpu.memref_slice %arg2[%multiple_of3A_10, %multiple_of3A] : memref<832x100000xf32, #tpu.memory_space<hbm>> -> memref<32x128xf32, #tpu.memory_space<hbm>>
    %dma_start3A_16 = arith.constant 0 : i32
    %dma_start3A_17 = arith.constant 0 : i32
    %dma_start3A_18 = tpu.memref_slice %arg8[%dma_start3A, %dma_start3A_16, %dma_start3A_17] : memref<16x32x128xf32, #tpu.memory_space<vmem>> -> memref<1x32x128xf32, #tpu.memory_space<vmem>>
    %dma_start3A_19 = tpu.memref_squeeze %dma_start3A_18 : memref<1x32x128xf32, #tpu.memory_space<vmem>> -> memref<32x128xf32, #tpu.memory_space<vmem>>
    %dma_start3A_20 = tpu.memref_slice %arg2[%multiple_of3A_10, %multiple_of3A] : memref<832x100000xf32, #tpu.memory_space<hbm>> -> memref<32x128xf32, #tpu.memory_space<hbm>>
    tpu.enqueue_dma source(%dma_start3A_20 : memref<32x128xf32, #tpu.memory_space<hbm>>) target(%dma_start3A_19 : memref<32x128xf32, #tpu.memory_space<vmem>>) target_semaphore(%arg10 : memref<!tpu.dma_semaphore, #tpu.memory_space<semaphore_mem>>)
    %slice3A_21 = vector.extract_strided_slice %get3A_1 {offsets = [1], sizes = [1], strides = [1]} : vector<16xi32> to vector<1xi32>
    %squeeze3A_22 = vector.extract %slice3A_21[0] : i32 from vector<1xi32>
    %slice3A_23 = vector.extract_strided_slice %get3A_3 {offsets = [1], sizes = [1], strides = [1]} : vector<16xi32> to vector<1xi32>
    %squeeze3A_24 = vector.extract %slice3A_23[0] : i32 from vector<1xi32>
    %shift_right_arithmetic3A_25 = arith.constant 7 : i32
    %shift_right_arithmetic3A_26 = arith.shrsi %squeeze3A_24, %shift_right_arithmetic3A_25 : i32
    %shift_left3A_27 = arith.constant 7 : i32
    %shift_left3A_28 = arith.shli %shift_right_arithmetic3A_26, %shift_left3A_27 : i32
    %multiple_of3A_29 = tpu.assume_multiple %shift_left3A_28, 128 : i32
    %mul3A_30 = arith.constant 32 : i32
    %mul3A_31 = arith.muli %squeeze3A_22, %mul3A_30 : i32
    %multiple_of3A_32 = tpu.assume_multiple %mul3A_31, 32 : i32
    %dma_start3A_33 = arith.constant 1 : i32
    %dma_start3A_34 = arith.constant 0 : i32
    %dma_start3A_35 = arith.constant 0 : i32
    %dma_start3A_36 = tpu.memref_slice %arg8[%dma_start3A_33, %dma_start3A_34, %dma_start3A_35] : memref<16x32x128xf32, #tpu.memory_space<vmem>> -> memref<1x32x128xf32, #tpu.memory_space<vmem>>
    %dma_start3A_37 = tpu.memref_squeeze %dma_start3A_36 : memref<1x32x128xf32, #tpu.memory_space<vmem>> -> memref<32x128xf32, #tpu.memory_space<vmem>>
    %dma_start3A_38 = tpu.memref_slice %arg2[%multiple_of3A_32, %multiple_of3A_29] : memref<832x100000xf32, #tpu.memory_space<hbm>> -> memref<32x128xf32, #tpu.memory_space<hbm>>
    %dma_start3A_39 = arith.constant 0 : i32
    %dma_start3A_40 = arith.constant 0 : i32
    %dma_start3A_41 = tpu.memref_slice %arg8[%dma_start3A_33, %dma_start3A_39, %dma_start3A_40] : memref<16x32x128xf32, #tpu.memory_space<vmem>> -> memref<1x32x128xf32, #tpu.memory_space<vmem>>
    %dma_start3A_42 = tpu.memref_squeeze %dma_start3A_41 : memref<1x32x128xf32, #tpu.memory_space<vmem>> -> memref<32x128xf32, #tpu.memory_space<vmem>>
    %dma_start3A_43 = tpu.memref_slice %arg2[%multiple_of3A_32, %multiple_of3A_29] : memref<832x100000xf32, #tpu.memory_space<hbm>> -> memref<32x128xf32, #tpu.memory_space<hbm>>
    tpu.enqueue_dma source(%dma_start3A_43 : memref<32x128xf32, #tpu.memory_space<hbm>>) target(%dma_start3A_42 : memref<32x128xf32, #tpu.memory_space<vmem>>) target_semaphore(%arg10 : memref<!tpu.dma_semaphore, #tpu.memory_space<semaphore_mem>>)
    %slice3A_44 = vector.extract_strided_slice %get3A_1 {offsets = [2], sizes = [1], strides = [1]} : vector<16xi32> to vector<1xi32>
    %squeeze3A_45 = vector.extract %slice3A_44[0] : i32 from vector<1xi32>
    %slice3A_46 = vector.extract_strided_slice %get3A_3 {offsets = [2], sizes = [1], strides = [1]} : vector<16xi32> to vector<1xi32>
    %squeeze3A_47 = vector.extract %slice3A_46[0] : i32 from vector<1xi32>
    %shift_right_arithmetic3A_48 = arith.constant 7 : i32
    %shift_right_arithmetic3A_49 = arith.shrsi %squeeze3A_47, %shift_right_arithmetic3A_48 : i32
    %shift_left3A_50 = arith.constant 7 : i32
    %shift_left3A_51 = arith.shli %shift_right_arithmetic3A_49, %shift_left3A_50 : i32
    %multiple_of3A_52 = tpu.assume_multiple %shift_left3A_51, 128 : i32
    %mul3A_53 = arith.constant 32 : i32
    %mul3A_54 = arith.muli %squeeze3A_45, %mul3A_53 : i32
    %multiple_of3A_55 = tpu.assume_multiple %mul3A_54, 32 : i32
    %dma_start3A_56 = arith.constant 2 : i32
    %dma_start3A_57 = arith.constant 0 : i32
    %dma_start3A_58 = arith.constant 0 : i32
    %dma_start3A_59 = tpu.memref_slice %arg8[%dma_start3A_56, %dma_start3A_57, %dma_start3A_58] : memref<16x32x128xf32, #tpu.memory_space<vmem>> -> memref<1x32x128xf32, #tpu.memory_space<vmem>>
    %dma_start3A_60 = tpu.memref_squeeze %dma_start3A_59 : memref<1x32x128xf32, #tpu.memory_space<vmem>> -> memref<32x128xf32, #tpu.memory_space<vmem>>
    %dma_start3A_61 = tpu.memref_slice %arg2[%multiple_of3A_55, %multiple_of3A_52] : memref<832x100000xf32, #tpu.memory_space<hbm>> -> memref<32x128xf32, #tpu.memory_space<hbm>>
    %dma_start3A_62 = arith.constant 0 : i32
    %dma_start3A_63 = arith.constant 0 : i32
    %dma_start3A_64 = tpu.memref_slice %arg8[%dma_start3A_56, %dma_start3A_62, %dma_start3A_63] : memref<16x32x128xf32, #tpu.memory_space<vmem>> -> memref<1x32x128xf32, #tpu.memory_space<vmem>>
    %dma_start3A_65 = tpu.memref_squeeze %dma_start3A_64 : memref<1x32x128xf32, #tpu.memory_space<vmem>> -> memref<32x128xf32, #tpu.memory_space<vmem>>
    %dma_start3A_66 = tpu.memref_slice %arg2[%multiple_of3A_55, %multiple_of3A_52] : memref<832x100000xf32, #tpu.memory_space<hbm>> -> memref<32x128xf32, #tpu.memory_space<hbm>>
    tpu.enqueue_dma source(%dma_start3A_66 : memref<32x128xf32, #tpu.memory_space<hbm>>) target(%dma_start3A_65 : memref<32x128xf32, #tpu.memory_space<vmem>>) target_semaphore(%arg10 : memref<!tpu.dma_semaphore, #tpu.memory_space<semaphore_mem>>)
    %slice3A_67 = vector.extract_strided_slice %get3A_1 {offsets = [3], sizes = [1], strides = [1]} : vector<16xi32> to vector<1xi32>
    %squeeze3A_68 = vector.extract %slice3A_67[0] : i32 from vector<1xi32>
    %slice3A_69 = vector.extract_strided_slice %get3A_3 {offsets = [3], sizes = [1], strides = [1]} : vector<16xi32> to vector<1xi32>
    %squeeze3A_70 = vector.extract %slice3A_69[0] : i32 from vector<1xi32>
    %shift_right_arithmetic3A_71 = arith.constant 7 : i32
    %shift_right_arithmetic3A_72 = arith.shrsi %squeeze3A_70, %shift_right_arithmetic3A_71 : i32
    %shift_left3A_73 = arith.constant 7 : i32
    %shift_left3A_74 = arith.shli %shift_right_arithmetic3A_72, %shift_left3A_73 : i32
    %multiple_of3A_75 = tpu.assume_multiple %shift_left3A_74, 128 : i32
    %mul3A_76 = arith.constant 32 : i32
    %mul3A_77 = arith.muli %squeeze3A_68, %mul3A_76 : i32
    %multiple_of3A_78 = tpu.assume_multiple %mul3A_77, 32 : i32
    %dma_start3A_79 = arith.constant 3 : i32
    %dma_start3A_80 = arith.constant 0 : i32
    %dma_start3A_81 = arith.constant 0 : i32
    %dma_start3A_82 = tpu.memref_slice %arg8[%dma_start3A_79, %dma_start3A_80, %dma_start3A_81] : memref<16x32x128xf32, #tpu.memory_space<vmem>> -> memref<1x32x128xf32, #tpu.memory_space<vmem>>
    %dma_start3A_83 = tpu.memref_squeeze %dma_start3A_82 : memref<1x32x128xf32, #tpu.memory_space<vmem>> -> memref<32x128xf32, #tpu.memory_space<vmem>>
    %dma_start3A_84 = tpu.memref_slice %arg2[%multiple_of3A_78, %multiple_of3A_75] : memref<832x100000xf32, #tpu.memory_space<hbm>> -> memref<32x128xf32, #tpu.memory_space<hbm>>
    %dma_start3A_85 = arith.constant 0 : i32
    %dma_start3A_86 = arith.constant 0 : i32
    %dma_start3A_87 = tpu.memref_slice %arg8[%dma_start3A_79, %dma_start3A_85, %dma_start3A_86] : memref<16x32x128xf32, #tpu.memory_space<vmem>> -> memref<1x32x128xf32, #tpu.memory_space<vmem>>
    %dma_start3A_88 = tpu.memref_squeeze %dma_start3A_87 : memref<1x32x128xf32, #tpu.memory_space<vmem>> -> memref<32x128xf32, #tpu.memory_space<vmem>>
    %dma_start3A_89 = tpu.memref_slice %arg2[%multiple_of3A_78, %multiple_of3A_75] : memref<832x100000xf32, #tpu.memory_space<hbm>> -> memref<32x128xf32, #tpu.memory_space<hbm>>
    tpu.enqueue_dma source(%dma_start3A_89 : memref<32x128xf32, #tpu.memory_space<hbm>>) target(%dma_start3A_88 : memref<32x128xf32, #tpu.memory_space<vmem>>) target_semaphore(%arg10 : memref<!tpu.dma_semaphore, #tpu.memory_space<semaphore_mem>>)
    %slice3A_90 = vector.extract_strided_slice %get3A_1 {offsets = [4], sizes = [1], strides = [1]} : vector<16xi32> to vector<1xi32>
    %squeeze3A_91 = vector.extract %slice3A_90[0] : i32 from vector<1xi32>
    %slice3A_92 = vector.extract_strided_slice %get3A_3 {offsets = [4], sizes = [1], strides = [1]} : vector<16xi32> to vector<1xi32>
    %squeeze3A_93 = vector.extract %slice3A_92[0] : i32 from vector<1xi32>
    %shift_right_arithmetic3A_94 = arith.constant 7 : i32
    %shift_right_arithmetic3A_95 = arith.shrsi %squeeze3A_93, %shift_right_arithmetic3A_94 : i32
    %shift_left3A_96 = arith.constant 7 : i32
    %shift_left3A_97 = arith.shli %shift_right_arithmetic3A_95, %shift_left3A_96 : i32
    %multiple_of3A_98 = tpu.assume_multiple %shift_left3A_97, 128 : i32
    %mul3A_99 = arith.constant 32 : i32
    %mul3A_100 = arith.muli %squeeze3A_91, %mul3A_99 : i32
    %multiple_of3A_101 = tpu.assume_multiple %mul3A_100, 32 : i32
    %dma_start3A_102 = arith.constant 4 : i32
    %dma_start3A_103 = arith.constant 0 : i32
    %dma_start3A_104 = arith.constant 0 : i32
    %dma_start3A_105 = tpu.memref_slice %arg8[%dma_start3A_102, %dma_start3A_103, %dma_start3A_104] : memref<16x32x128xf32, #tpu.memory_space<vmem>> -> memref<1x32x128xf32, #tpu.memory_space<vmem>>
    %dma_start3A_106 = tpu.memref_squeeze %dma_start3A_105 : memref<1x32x128xf32, #tpu.memory_space<vmem>> -> memref<32x128xf32, #tpu.memory_space<vmem>>
    %dma_start3A_107 = tpu.memref_slice %arg2[%multiple_of3A_101, %multiple_of3A_98] : memref<832x100000xf32, #tpu.memory_space<hbm>> -> memref<32x128xf32, #tpu.memory_space<hbm>>
    %dma_start3A_108 = arith.constant 0 : i32
    %dma_start3A_109 = arith.constant 0 : i32
    %dma_start3A_110 = tpu.memref_slice %arg8[%dma_start3A_102, %dma_start3A_108, %dma_start3A_109] : memref<16x32x128xf32, #tpu.memory_space<vmem>> -> memref<1x32x128xf32, #tpu.memory_space<vmem>>
    %dma_start3A_111 = tpu.memref_squeeze %dma_start3A_110 : memref<1x32x128xf32, #tpu.memory_space<vmem>> -> memref<32x128xf32, #tpu.memory_space<vmem>>
    %dma_start3A_112 = tpu.memref_slice %arg2[%multiple_of3A_101, %multiple_of3A_98] : memref<832x100000xf32, #tpu.memory_space<hbm>> -> memref<32x128xf32, #tpu.memory_space<hbm>>
    tpu.enqueue_dma source(%dma_start3A_112 : memref<32x128xf32, #tpu.memory_space<hbm>>) target(%dma_start3A_111 : memref<32x128xf32, #tpu.memory_space<vmem>>) target_semaphore(%arg10 : memref<!tpu.dma_semaphore, #tpu.memory_space<semaphore_mem>>)
    %slice3A_113 = vector.extract_strided_slice %get3A_1 {offsets = [5], sizes = [1], strides = [1]} : vector<16xi32> to vector<1xi32>
    %squeeze3A_114 = vector.extract %slice3A_113[0] : i32 from vector<1xi32>
    %slice3A_115 = vector.extract_strided_slice %get3A_3 {offsets = [5], sizes = [1], strides = [1]} : vector<16xi32> to vector<1xi32>
    %squeeze3A_116 = vector.extract %slice3A_115[0] : i32 from vector<1xi32>
    %shift_right_arithmetic3A_117 = arith.constant 7 : i32
    %shift_right_arithmetic3A_118 = arith.shrsi %squeeze3A_116, %shift_right_arithmetic3A_117 : i32
    %shift_left3A_119 = arith.constant 7 : i32
    %shift_left3A_120 = arith.shli %shift_right_arithmetic3A_118, %shift_left3A_119 : i32
    %multiple_of3A_121 = tpu.assume_multiple %shift_left3A_120, 128 : i32
    %mul3A_122 = arith.constant 32 : i32
    %mul3A_123 = arith.muli %squeeze3A_114, %mul3A_122 : i32
    %multiple_of3A_124 = tpu.assume_multiple %mul3A_123, 32 : i32
    %dma_start3A_125 = arith.constant 5 : i32
    %dma_start3A_126 = arith.constant 0 : i32
    %dma_start3A_127 = arith.constant 0 : i32
    %dma_start3A_128 = tpu.memref_slice %arg8[%dma_start3A_125, %dma_start3A_126, %dma_start3A_127] : memref<16x32x128xf32, #tpu.memory_space<vmem>> -> memref<1x32x128xf32, #tpu.memory_space<vmem>>
    %dma_start3A_129 = tpu.memref_squeeze %dma_start3A_128 : memref<1x32x128xf32, #tpu.memory_space<vmem>> -> memref<32x128xf32, #tpu.memory_space<vmem>>
    %dma_start3A_130 = tpu.memref_slice %arg2[%multiple_of3A_124, %multiple_of3A_121] : memref<832x100000xf32, #tpu.memory_space<hbm>> -> memref<32x128xf32, #tpu.memory_space<hbm>>
    %dma_start3A_131 = arith.constant 0 : i32
    %dma_start3A_132 = arith.constant 0 : i32
    %dma_start3A_133 = tpu.memref_slice %arg8[%dma_start3A_125, %dma_start3A_131, %dma_start3A_132] : memref<16x32x128xf32, #tpu.memory_space<vmem>> -> memref<1x32x128xf32, #tpu.memory_space<vmem>>
    %dma_start3A_134 = tpu.memref_squeeze %dma_start3A_133 : memref<1x32x128xf32, #tpu.memory_space<vmem>> -> memref<32x128xf32, #tpu.memory_space<vmem>>
    %dma_start3A_135 = tpu.memref_slice %arg2[%multiple_of3A_124, %multiple_of3A_121] : memref<832x100000xf32, #tpu.memory_space<hbm>> -> memref<32x128xf32, #tpu.memory_space<hbm>>
    tpu.enqueue_dma source(%dma_start3A_135 : memref<32x128xf32, #tpu.memory_space<hbm>>) target(%dma_start3A_134 : memref<32x128xf32, #tpu.memory_space<vmem>>) target_semaphore(%arg10 : memref<!tpu.dma_semaphore, #tpu.memory_space<semaphore_mem>>)
    %slice3A_136 = vector.extract_strided_slice %get3A_1 {offsets = [6], sizes = [1], strides = [1]} : vector<16xi32> to vector<1xi32>
    %squeeze3A_137 = vector.extract %slice3A_136[0] : i32 from vector<1xi32>
    %slice3A_138 = vector.extract_strided_slice %get3A_3 {offsets = [6], sizes = [1], strides = [1]} : vector<16xi32> to vector<1xi32>
    %squeeze3A_139 = vector.extract %slice3A_138[0] : i32 from vector<1xi32>
    %shift_right_arithmetic3A_140 = arith.constant 7 : i32
    %shift_right_arithmetic3A_141 = arith.shrsi %squeeze3A_139, %shift_right_arithmetic3A_140 : i32
    %shift_left3A_142 = arith.constant 7 : i32
    %shift_left3A_143 = arith.shli %shift_right_arithmetic3A_141, %shift_left3A_142 : i32
    %multiple_of3A_144 = tpu.assume_multiple %shift_left3A_143, 128 : i32
    %mul3A_145 = arith.constant 32 : i32
    %mul3A_146 = arith.muli %squeeze3A_137, %mul3A_145 : i32
    %multiple_of3A_147 = tpu.assume_multiple %mul3A_146, 32 : i32
    %dma_start3A_148 = arith.constant 6 : i32
    %dma_start3A_149 = arith.constant 0 : i32
    %dma_start3A_150 = arith.constant 0 : i32
    %dma_start3A_151 = tpu.memref_slice %arg8[%dma_start3A_148, %dma_start3A_149, %dma_start3A_150] : memref<16x32x128xf32, #tpu.memory_space<vmem>> -> memref<1x32x128xf32, #tpu.memory_space<vmem>>
    %dma_start3A_152 = tpu.memref_squeeze %dma_start3A_151 : memref<1x32x128xf32, #tpu.memory_space<vmem>> -> memref<32x128xf32, #tpu.memory_space<vmem>>
    %dma_start3A_153 = tpu.memref_slice %arg2[%multiple_of3A_147, %multiple_of3A_144] : memref<832x100000xf32, #tpu.memory_space<hbm>> -> memref<32x128xf32, #tpu.memory_space<hbm>>
    %dma_start3A_154 = arith.constant 0 : i32
    %dma_start3A_155 = arith.constant 0 : i32
    %dma_start3A_156 = tpu.memref_slice %arg8[%dma_start3A_148, %dma_start3A_154, %dma_start3A_155] : memref<16x32x128xf32, #tpu.memory_space<vmem>> -> memref<1x32x128xf32, #tpu.memory_space<vmem>>
    %dma_start3A_157 = tpu.memref_squeeze %dma_start3A_156 : memref<1x32x128xf32, #tpu.memory_space<vmem>> -> memref<32x128xf32, #tpu.memory_space<vmem>>
    %dma_start3A_158 = tpu.memref_slice %arg2[%multiple_of3A_147, %multiple_of3A_144] : memref<832x100000xf32, #tpu.memory_space<hbm>> -> memref<32x128xf32, #tpu.memory_space<hbm>>
    tpu.enqueue_dma source(%dma_start3A_158 : memref<32x128xf32, #tpu.memory_space<hbm>>) target(%dma_start3A_157 : memref<32x128xf32, #tpu.memory_space<vmem>>) target_semaphore(%arg10 : memref<!tpu.dma_semaphore, #tpu.memory_space<semaphore_mem>>)
    %slice3A_159 = vector.extract_strided_slice %get3A_1 {offsets = [7], sizes = [1], strides = [1]} : vector<16xi32> to vector<1xi32>
    %squeeze3A_160 = vector.extract %slice3A_159[0] : i32 from vector<1xi32>
    %slice3A_161 = vector.extract_strided_slice %get3A_3 {offsets = [7], sizes = [1], strides = [1]} : vector<16xi32> to vector<1xi32>
    %squeeze3A_162 = vector.extract %slice3A_161[0] : i32 from vector<1xi32>
    %shift_right_arithmetic3A_163 = arith.constant 7 : i32
    %shift_right_arithmetic3A_164 = arith.shrsi %squeeze3A_162, %shift_right_arithmetic3A_163 : i32
    %shift_left3A_165 = arith.constant 7 : i32
    %shift_left3A_166 = arith.shli %shift_right_arithmetic3A_164, %shift_left3A_165 : i32
    %multiple_of3A_167 = tpu.assume_multiple %shift_left3A_166, 128 : i32
    %mul3A_168 = arith.constant 32 : i32
    %mul3A_169 = arith.muli %squeeze3A_160, %mul3A_168 : i32
    %multiple_of3A_170 = tpu.assume_multiple %mul3A_169, 32 : i32
    %dma_start3A_171 = arith.constant 7 : i32
    %dma_start3A_172 = arith.constant 0 : i32
    %dma_start3A_173 = arith.constant 0 : i32
    %dma_start3A_174 = tpu.memref_slice %arg8[%dma_start3A_171, %dma_start3A_172, %dma_start3A_173] : memref<16x32x128xf32, #tpu.memory_space<vmem>> -> memref<1x32x128xf32, #tpu.memory_space<vmem>>
    %dma_start3A_175 = tpu.memref_squeeze %dma_start3A_174 : memref<1x32x128xf32, #tpu.memory_space<vmem>> -> memref<32x128xf32, #tpu.memory_space<vmem>>
    %dma_start3A_176 = tpu.memref_slice %arg2[%multiple_of3A_170, %multiple_of3A_167] : memref<832x100000xf32, #tpu.memory_space<hbm>> -> memref<32x128xf32, #tpu.memory_space<hbm>>
    %dma_start3A_177 = arith.constant 0 : i32
    %dma_start3A_178 = arith.constant 0 : i32
    %dma_start3A_179 = tpu.memref_slice %arg8[%dma_start3A_171, %dma_start3A_177, %dma_start3A_178] : memref<16x32x128xf32, #tpu.memory_space<vmem>> -> memref<1x32x128xf32, #tpu.memory_space<vmem>>
    %dma_start3A_180 = tpu.memref_squeeze %dma_start3A_179 : memref<1x32x128xf32, #tpu.memory_space<vmem>> -> memref<32x128xf32, #tpu.memory_space<vmem>>
    %dma_start3A_181 = tpu.memref_slice %arg2[%multiple_of3A_170, %multiple_of3A_167] : memref<832x100000xf32, #tpu.memory_space<hbm>> -> memref<32x128xf32, #tpu.memory_space<hbm>>
    tpu.enqueue_dma source(%dma_start3A_181 : memref<32x128xf32, #tpu.memory_space<hbm>>) target(%dma_start3A_180 : memref<32x128xf32, #tpu.memory_space<vmem>>) target_semaphore(%arg10 : memref<!tpu.dma_semaphore, #tpu.memory_space<semaphore_mem>>)
    %slice3A_182 = vector.extract_strided_slice %get3A_1 {offsets = [8], sizes = [1], strides = [1]} : vector<16xi32> to vector<1xi32>
    %squeeze3A_183 = vector.extract %slice3A_182[0] : i32 from vector<1xi32>
    %slice3A_184 = vector.extract_strided_slice %get3A_3 {offsets = [8], sizes = [1], strides = [1]} : vector<16xi32> to vector<1xi32>
    %squeeze3A_185 = vector.extract %slice3A_184[0] : i32 from vector<1xi32>
    %shift_right_arithmetic3A_186 = arith.constant 7 : i32
    %shift_right_arithmetic3A_187 = arith.shrsi %squeeze3A_185, %shift_right_arithmetic3A_186 : i32
    %shift_left3A_188 = arith.constant 7 : i32
    %shift_left3A_189 = arith.shli %shift_right_arithmetic3A_187, %shift_left3A_188 : i32
    %multiple_of3A_190 = tpu.assume_multiple %shift_left3A_189, 128 : i32
    %mul3A_191 = arith.constant 32 : i32
    %mul3A_192 = arith.muli %squeeze3A_183, %mul3A_191 : i32
    %multiple_of3A_193 = tpu.assume_multiple %mul3A_192, 32 : i32
    %dma_start3A_194 = arith.constant 8 : i32
    %dma_start3A_195 = arith.constant 0 : i32
    %dma_start3A_196 = arith.constant 0 : i32
    %dma_start3A_197 = tpu.memref_slice %arg8[%dma_start3A_194, %dma_start3A_195, %dma_start3A_196] : memref<16x32x128xf32, #tpu.memory_space<vmem>> -> memref<1x32x128xf32, #tpu.memory_space<vmem>>
    %dma_start3A_198 = tpu.memref_squeeze %dma_start3A_197 : memref<1x32x128xf32, #tpu.memory_space<vmem>> -> memref<32x128xf32, #tpu.memory_space<vmem>>
    %dma_start3A_199 = tpu.memref_slice %arg2[%multiple_of3A_193, %multiple_of3A_190] : memref<832x100000xf32, #tpu.memory_space<hbm>> -> memref<32x128xf32, #tpu.memory_space<hbm>>
    %dma_start3A_200 = arith.constant 0 : i32
    %dma_start3A_201 = arith.constant 0 : i32
    %dma_start3A_202 = tpu.memref_slice %arg8[%dma_start3A_194, %dma_start3A_200, %dma_start3A_201] : memref<16x32x128xf32, #tpu.memory_space<vmem>> -> memref<1x32x128xf32, #tpu.memory_space<vmem>>
    %dma_start3A_203 = tpu.memref_squeeze %dma_start3A_202 : memref<1x32x128xf32, #tpu.memory_space<vmem>> -> memref<32x128xf32, #tpu.memory_space<vmem>>
    %dma_start3A_204 = tpu.memref_slice %arg2[%multiple_of3A_193, %multiple_of3A_190] : memref<832x100000xf32, #tpu.memory_space<hbm>> -> memref<32x128xf32, #tpu.memory_space<hbm>>
    tpu.enqueue_dma source(%dma_start3A_204 : memref<32x128xf32, #tpu.memory_space<hbm>>) target(%dma_start3A_203 : memref<32x128xf32, #tpu.memory_space<vmem>>) target_semaphore(%arg11 : memref<!tpu.dma_semaphore, #tpu.memory_space<semaphore_mem>>)
    %slice3A_205 = vector.extract_strided_slice %get3A_1 {offsets = [9], sizes = [1], strides = [1]} : vector<16xi32> to vector<1xi32>
    %squeeze3A_206 = vector.extract %slice3A_205[0] : i32 from vector<1xi32>
    %slice3A_207 = vector.extract_strided_slice %get3A_3 {offsets = [9], sizes = [1], strides = [1]} : vector<16xi32> to vector<1xi32>
    %squeeze3A_208 = vector.extract %slice3A_207[0] : i32 from vector<1xi32>
    %shift_right_arithmetic3A_209 = arith.constant 7 : i32
    %shift_right_arithmetic3A_210 = arith.shrsi %squeeze3A_208, %shift_right_arithmetic3A_209 : i32
    %shift_left3A_211 = arith.constant 7 : i32
    %shift_left3A_212 = arith.shli %shift_right_arithmetic3A_210, %shift_left3A_211 : i32
    %multiple_of3A_213 = tpu.assume_multiple %shift_left3A_212, 128 : i32
    %mul3A_214 = arith.constant 32 : i32
    %mul3A_215 = arith.muli %squeeze3A_206, %mul3A_214 : i32
    %multiple_of3A_216 = tpu.assume_multiple %mul3A_215, 32 : i32
    %dma_start3A_217 = arith.constant 9 : i32
    %dma_start3A_218 = arith.constant 0 : i32
    %dma_start3A_219 = arith.constant 0 : i32
    %dma_start3A_220 = tpu.memref_slice %arg8[%dma_start3A_217, %dma_start3A_218, %dma_start3A_219] : memref<16x32x128xf32, #tpu.memory_space<vmem>> -> memref<1x32x128xf32, #tpu.memory_space<vmem>>
    %dma_start3A_221 = tpu.memref_squeeze %dma_start3A_220 : memref<1x32x128xf32, #tpu.memory_space<vmem>> -> memref<32x128xf32, #tpu.memory_space<vmem>>
    %dma_start3A_222 = tpu.memref_slice %arg2[%multiple_of3A_216, %multiple_of3A_213] : memref<832x100000xf32, #tpu.memory_space<hbm>> -> memref<32x128xf32, #tpu.memory_space<hbm>>
    %dma_start3A_223 = arith.constant 0 : i32
    %dma_start3A_224 = arith.constant 0 : i32
    %dma_start3A_225 = tpu.memref_slice %arg8[%dma_start3A_217, %dma_start3A_223, %dma_start3A_224] : memref<16x32x128xf32, #tpu.memory_space<vmem>> -> memref<1x32x128xf32, #tpu.memory_space<vmem>>
    %dma_start3A_226 = tpu.memref_squeeze %dma_start3A_225 : memref<1x32x128xf32, #tpu.memory_space<vmem>> -> memref<32x128xf32, #tpu.memory_space<vmem>>
    %dma_start3A_227 = tpu.memref_slice %arg2[%multiple_of3A_216, %multiple_of3A_213] : memref<832x100000xf32, #tpu.memory_space<hbm>> -> memref<32x128xf32, #tpu.memory_space<hbm>>
    tpu.enqueue_dma source(%dma_start3A_227 : memref<32x128xf32, #tpu.memory_space<hbm>>) target(%dma_start3A_226 : memref<32x128xf32, #tpu.memory_space<vmem>>) target_semaphore(%arg11 : memref<!tpu.dma_semaphore, #tpu.memory_space<semaphore_mem>>)
    %slice3A_228 = vector.extract_strided_slice %get3A_1 {offsets = [10], sizes = [1], strides = [1]} : vector<16xi32> to vector<1xi32>
    %squeeze3A_229 = vector.extract %slice3A_228[0] : i32 from vector<1xi32>
    %slice3A_230 = vector.extract_strided_slice %get3A_3 {offsets = [10], sizes = [1], strides = [1]} : vector<16xi32> to vector<1xi32>
    %squeeze3A_231 = vector.extract %slice3A_230[0] : i32 from vector<1xi32>
    %shift_right_arithmetic3A_232 = arith.constant 7 : i32
    %shift_right_arithmetic3A_233 = arith.shrsi %squeeze3A_231, %shift_right_arithmetic3A_232 : i32
    %shift_left3A_234 = arith.constant 7 : i32
    %shift_left3A_235 = arith.shli %shift_right_arithmetic3A_233, %shift_left3A_234 : i32
    %multiple_of3A_236 = tpu.assume_multiple %shift_left3A_235, 128 : i32
    %mul3A_237 = arith.constant 32 : i32
    %mul3A_238 = arith.muli %squeeze3A_229, %mul3A_237 : i32
    %multiple_of3A_239 = tpu.assume_multiple %mul3A_238, 32 : i32
    %dma_start3A_240 = arith.constant 10 : i32
    %dma_start3A_241 = arith.constant 0 : i32
    %dma_start3A_242 = arith.constant 0 : i32
    %dma_start3A_243 = tpu.memref_slice %arg8[%dma_start3A_240, %dma_start3A_241, %dma_start3A_242] : memref<16x32x128xf32, #tpu.memory_space<vmem>> -> memref<1x32x128xf32, #tpu.memory_space<vmem>>
    %dma_start3A_244 = tpu.memref_squeeze %dma_start3A_243 : memref<1x32x128xf32, #tpu.memory_space<vmem>> -> memref<32x128xf32, #tpu.memory_space<vmem>>
    %dma_start3A_245 = tpu.memref_slice %arg2[%multiple_of3A_239, %multiple_of3A_236] : memref<832x100000xf32, #tpu.memory_space<hbm>> -> memref<32x128xf32, #tpu.memory_space<hbm>>
    %dma_start3A_246 = arith.constant 0 : i32
    %dma_start3A_247 = arith.constant 0 : i32
    %dma_start3A_248 = tpu.memref_slice %arg8[%dma_start3A_240, %dma_start3A_246, %dma_start3A_247] : memref<16x32x128xf32, #tpu.memory_space<vmem>> -> memref<1x32x128xf32, #tpu.memory_space<vmem>>
    %dma_start3A_249 = tpu.memref_squeeze %dma_start3A_248 : memref<1x32x128xf32, #tpu.memory_space<vmem>> -> memref<32x128xf32, #tpu.memory_space<vmem>>
    %dma_start3A_250 = tpu.memref_slice %arg2[%multiple_of3A_239, %multiple_of3A_236] : memref<832x100000xf32, #tpu.memory_space<hbm>> -> memref<32x128xf32, #tpu.memory_space<hbm>>
    tpu.enqueue_dma source(%dma_start3A_250 : memref<32x128xf32, #tpu.memory_space<hbm>>) target(%dma_start3A_249 : memref<32x128xf32, #tpu.memory_space<vmem>>) target_semaphore(%arg11 : memref<!tpu.dma_semaphore, #tpu.memory_space<semaphore_mem>>)
    %slice3A_251 = vector.extract_strided_slice %get3A_1 {offsets = [11], sizes = [1], strides = [1]} : vector<16xi32> to vector<1xi32>
    %squeeze3A_252 = vector.extract %slice3A_251[0] : i32 from vector<1xi32>
    %slice3A_253 = vector.extract_strided_slice %get3A_3 {offsets = [11], sizes = [1], strides = [1]} : vector<16xi32> to vector<1xi32>
    %squeeze3A_254 = vector.extract %slice3A_253[0] : i32 from vector<1xi32>
    %shift_right_arithmetic3A_255 = arith.constant 7 : i32
    %shift_right_arithmetic3A_256 = arith.shrsi %squeeze3A_254, %shift_right_arithmetic3A_255 : i32
    %shift_left3A_257 = arith.constant 7 : i32
    %shift_left3A_258 = arith.shli %shift_right_arithmetic3A_256, %shift_left3A_257 : i32
    %multiple_of3A_259 = tpu.assume_multiple %shift_left3A_258, 128 : i32
    %mul3A_260 = arith.constant 32 : i32
    %mul3A_261 = arith.muli %squeeze3A_252, %mul3A_260 : i32
    %multiple_of3A_262 = tpu.assume_multiple %mul3A_261, 32 : i32
    %dma_start3A_263 = arith.constant 11 : i32
    %dma_start3A_264 = arith.constant 0 : i32
    %dma_start3A_265 = arith.constant 0 : i32
    %dma_start3A_266 = tpu.memref_slice %arg8[%dma_start3A_263, %dma_start3A_264, %dma_start3A_265] : memref<16x32x128xf32, #tpu.memory_space<vmem>> -> memref<1x32x128xf32, #tpu.memory_space<vmem>>
    %dma_start3A_267 = tpu.memref_squeeze %dma_start3A_266 : memref<1x32x128xf32, #tpu.memory_space<vmem>> -> memref<32x128xf32, #tpu.memory_space<vmem>>
    %dma_start3A_268 = tpu.memref_slice %arg2[%multiple_of3A_262, %multiple_of3A_259] : memref<832x100000xf32, #tpu.memory_space<hbm>> -> memref<32x128xf32, #tpu.memory_space<hbm>>
    %dma_start3A_269 = arith.constant 0 : i32
    %dma_start3A_270 = arith.constant 0 : i32
    %dma_start3A_271 = tpu.memref_slice %arg8[%dma_start3A_263, %dma_start3A_269, %dma_start3A_270] : memref<16x32x128xf32, #tpu.memory_space<vmem>> -> memref<1x32x128xf32, #tpu.memory_space<vmem>>
    %dma_start3A_272 = tpu.memref_squeeze %dma_start3A_271 : memref<1x32x128xf32, #tpu.memory_space<vmem>> -> memref<32x128xf32, #tpu.memory_space<vmem>>
    %dma_start3A_273 = tpu.memref_slice %arg2[%multiple_of3A_262, %multiple_of3A_259] : memref<832x100000xf32, #tpu.memory_space<hbm>> -> memref<32x128xf32, #tpu.memory_space<hbm>>
    tpu.enqueue_dma source(%dma_start3A_273 : memref<32x128xf32, #tpu.memory_space<hbm>>) target(%dma_start3A_272 : memref<32x128xf32, #tpu.memory_space<vmem>>) target_semaphore(%arg11 : memref<!tpu.dma_semaphore, #tpu.memory_space<semaphore_mem>>)
    %slice3A_274 = vector.extract_strided_slice %get3A_1 {offsets = [12], sizes = [1], strides = [1]} : vector<16xi32> to vector<1xi32>
    %squeeze3A_275 = vector.extract %slice3A_274[0] : i32 from vector<1xi32>
    %slice3A_276 = vector.extract_strided_slice %get3A_3 {offsets = [12], sizes = [1], strides = [1]} : vector<16xi32> to vector<1xi32>
    %squeeze3A_277 = vector.extract %slice3A_276[0] : i32 from vector<1xi32>
    %shift_right_arithmetic3A_278 = arith.constant 7 : i32
    %shift_right_arithmetic3A_279 = arith.shrsi %squeeze3A_277, %shift_right_arithmetic3A_278 : i32
    %shift_left3A_280 = arith.constant 7 : i32
    %shift_left3A_281 = arith.shli %shift_right_arithmetic3A_279, %shift_left3A_280 : i32
    %multiple_of3A_282 = tpu.assume_multiple %shift_left3A_281, 128 : i32
    %mul3A_283 = arith.constant 32 : i32
    %mul3A_284 = arith.muli %squeeze3A_275, %mul3A_283 : i32
    %multiple_of3A_285 = tpu.assume_multiple %mul3A_284, 32 : i32
    %dma_start3A_286 = arith.constant 12 : i32
    %dma_start3A_287 = arith.constant 0 : i32
    %dma_start3A_288 = arith.constant 0 : i32
    %dma_start3A_289 = tpu.memref_slice %arg8[%dma_start3A_286, %dma_start3A_287, %dma_start3A_288] : memref<16x32x128xf32, #tpu.memory_space<vmem>> -> memref<1x32x128xf32, #tpu.memory_space<vmem>>
    %dma_start3A_290 = tpu.memref_squeeze %dma_start3A_289 : memref<1x32x128xf32, #tpu.memory_space<vmem>> -> memref<32x128xf32, #tpu.memory_space<vmem>>
    %dma_start3A_291 = tpu.memref_slice %arg2[%multiple_of3A_285, %multiple_of3A_282] : memref<832x100000xf32, #tpu.memory_space<hbm>> -> memref<32x128xf32, #tpu.memory_space<hbm>>
    %dma_start3A_292 = arith.constant 0 : i32
    %dma_start3A_293 = arith.constant 0 : i32
    %dma_start3A_294 = tpu.memref_slice %arg8[%dma_start3A_286, %dma_start3A_292, %dma_start3A_293] : memref<16x32x128xf32, #tpu.memory_space<vmem>> -> memref<1x32x128xf32, #tpu.memory_space<vmem>>
    %dma_start3A_295 = tpu.memref_squeeze %dma_start3A_294 : memref<1x32x128xf32, #tpu.memory_space<vmem>> -> memref<32x128xf32, #tpu.memory_space<vmem>>
    %dma_start3A_296 = tpu.memref_slice %arg2[%multiple_of3A_285, %multiple_of3A_282] : memref<832x100000xf32, #tpu.memory_space<hbm>> -> memref<32x128xf32, #tpu.memory_space<hbm>>
    tpu.enqueue_dma source(%dma_start3A_296 : memref<32x128xf32, #tpu.memory_space<hbm>>) target(%dma_start3A_295 : memref<32x128xf32, #tpu.memory_space<vmem>>) target_semaphore(%arg11 : memref<!tpu.dma_semaphore, #tpu.memory_space<semaphore_mem>>)
    %slice3A_297 = vector.extract_strided_slice %get3A_1 {offsets = [13], sizes = [1], strides = [1]} : vector<16xi32> to vector<1xi32>
    %squeeze3A_298 = vector.extract %slice3A_297[0] : i32 from vector<1xi32>
    %slice3A_299 = vector.extract_strided_slice %get3A_3 {offsets = [13], sizes = [1], strides = [1]} : vector<16xi32> to vector<1xi32>
    %squeeze3A_300 = vector.extract %slice3A_299[0] : i32 from vector<1xi32>
    %shift_right_arithmetic3A_301 = arith.constant 7 : i32
    %shift_right_arithmetic3A_302 = arith.shrsi %squeeze3A_300, %shift_right_arithmetic3A_301 : i32
    %shift_left3A_303 = arith.constant 7 : i32
    %shift_left3A_304 = arith.shli %shift_right_arithmetic3A_302, %shift_left3A_303 : i32
    %multiple_of3A_305 = tpu.assume_multiple %shift_left3A_304, 128 : i32
    %mul3A_306 = arith.constant 32 : i32
    %mul3A_307 = arith.muli %squeeze3A_298, %mul3A_306 : i32
    %multiple_of3A_308 = tpu.assume_multiple %mul3A_307, 32 : i32
    %dma_start3A_309 = arith.constant 13 : i32
    %dma_start3A_310 = arith.constant 0 : i32
    %dma_start3A_311 = arith.constant 0 : i32
    %dma_start3A_312 = tpu.memref_slice %arg8[%dma_start3A_309, %dma_start3A_310, %dma_start3A_311] : memref<16x32x128xf32, #tpu.memory_space<vmem>> -> memref<1x32x128xf32, #tpu.memory_space<vmem>>
    %dma_start3A_313 = tpu.memref_squeeze %dma_start3A_312 : memref<1x32x128xf32, #tpu.memory_space<vmem>> -> memref<32x128xf32, #tpu.memory_space<vmem>>
    %dma_start3A_314 = tpu.memref_slice %arg2[%multiple_of3A_308, %multiple_of3A_305] : memref<832x100000xf32, #tpu.memory_space<hbm>> -> memref<32x128xf32, #tpu.memory_space<hbm>>
    %dma_start3A_315 = arith.constant 0 : i32
    %dma_start3A_316 = arith.constant 0 : i32
    %dma_start3A_317 = tpu.memref_slice %arg8[%dma_start3A_309, %dma_start3A_315, %dma_start3A_316] : memref<16x32x128xf32, #tpu.memory_space<vmem>> -> memref<1x32x128xf32, #tpu.memory_space<vmem>>
    %dma_start3A_318 = tpu.memref_squeeze %dma_start3A_317 : memref<1x32x128xf32, #tpu.memory_space<vmem>> -> memref<32x128xf32, #tpu.memory_space<vmem>>
    %dma_start3A_319 = tpu.memref_slice %arg2[%multiple_of3A_308, %multiple_of3A_305] : memref<832x100000xf32, #tpu.memory_space<hbm>> -> memref<32x128xf32, #tpu.memory_space<hbm>>
    tpu.enqueue_dma source(%dma_start3A_319 : memref<32x128xf32, #tpu.memory_space<hbm>>) target(%dma_start3A_318 : memref<32x128xf32, #tpu.memory_space<vmem>>) target_semaphore(%arg11 : memref<!tpu.dma_semaphore, #tpu.memory_space<semaphore_mem>>)
    %slice3A_320 = vector.extract_strided_slice %get3A_1 {offsets = [14], sizes = [1], strides = [1]} : vector<16xi32> to vector<1xi32>
    %squeeze3A_321 = vector.extract %slice3A_320[0] : i32 from vector<1xi32>
    %slice3A_322 = vector.extract_strided_slice %get3A_3 {offsets = [14], sizes = [1], strides = [1]} : vector<16xi32> to vector<1xi32>
    %squeeze3A_323 = vector.extract %slice3A_322[0] : i32 from vector<1xi32>
    %shift_right_arithmetic3A_324 = arith.constant 7 : i32
    %shift_right_arithmetic3A_325 = arith.shrsi %squeeze3A_323, %shift_right_arithmetic3A_324 : i32
    %shift_left3A_326 = arith.constant 7 : i32
    %shift_left3A_327 = arith.shli %shift_right_arithmetic3A_325, %shift_left3A_326 : i32
    %multiple_of3A_328 = tpu.assume_multiple %shift_left3A_327, 128 : i32
    %mul3A_329 = arith.constant 32 : i32
    %mul3A_330 = arith.muli %squeeze3A_321, %mul3A_329 : i32
    %multiple_of3A_331 = tpu.assume_multiple %mul3A_330, 32 : i32
    %dma_start3A_332 = arith.constant 14 : i32
    %dma_start3A_333 = arith.constant 0 : i32
    %dma_start3A_334 = arith.constant 0 : i32
    %dma_start3A_335 = tpu.memref_slice %arg8[%dma_start3A_332, %dma_start3A_333, %dma_start3A_334] : memref<16x32x128xf32, #tpu.memory_space<vmem>> -> memref<1x32x128xf32, #tpu.memory_space<vmem>>
    %dma_start3A_336 = tpu.memref_squeeze %dma_start3A_335 : memref<1x32x128xf32, #tpu.memory_space<vmem>> -> memref<32x128xf32, #tpu.memory_space<vmem>>
    %dma_start3A_337 = tpu.memref_slice %arg2[%multiple_of3A_331, %multiple_of3A_328] : memref<832x100000xf32, #tpu.memory_space<hbm>> -> memref<32x128xf32, #tpu.memory_space<hbm>>
    %dma_start3A_338 = arith.constant 0 : i32
    %dma_start3A_339 = arith.constant 0 : i32
    %dma_start3A_340 = tpu.memref_slice %arg8[%dma_start3A_332, %dma_start3A_338, %dma_start3A_339] : memref<16x32x128xf32, #tpu.memory_space<vmem>> -> memref<1x32x128xf32, #tpu.memory_space<vmem>>
    %dma_start3A_341 = tpu.memref_squeeze %dma_start3A_340 : memref<1x32x128xf32, #tpu.memory_space<vmem>> -> memref<32x128xf32, #tpu.memory_space<vmem>>
    %dma_start3A_342 = tpu.memref_slice %arg2[%multiple_of3A_331, %multiple_of3A_328] : memref<832x100000xf32, #tpu.memory_space<hbm>> -> memref<32x128xf32, #tpu.memory_space<hbm>>
    tpu.enqueue_dma source(%dma_start3A_342 : memref<32x128xf32, #tpu.memory_space<hbm>>) target(%dma_start3A_341 : memref<32x128xf32, #tpu.memory_space<vmem>>) target_semaphore(%arg11 : memref<!tpu.dma_semaphore, #tpu.memory_space<semaphore_mem>>)
    %slice3A_343 = vector.extract_strided_slice %get3A_1 {offsets = [15], sizes = [1], strides = [1]} : vector<16xi32> to vector<1xi32>
    %squeeze3A_344 = vector.extract %slice3A_343[0] : i32 from vector<1xi32>
    %slice3A_345 = vector.extract_strided_slice %get3A_3 {offsets = [15], sizes = [1], strides = [1]} : vector<16xi32> to vector<1xi32>
    %squeeze3A_346 = vector.extract %slice3A_345[0] : i32 from vector<1xi32>
    %shift_right_arithmetic3A_347 = arith.constant 7 : i32
    %shift_right_arithmetic3A_348 = arith.shrsi %squeeze3A_346, %shift_right_arithmetic3A_347 : i32
    %shift_left3A_349 = arith.constant 7 : i32
    %shift_left3A_350 = arith.shli %shift_right_arithmetic3A_348, %shift_left3A_349 : i32
    %multiple_of3A_351 = tpu.assume_multiple %shift_left3A_350, 128 : i32
    %mul3A_352 = arith.constant 32 : i32
    %mul3A_353 = arith.muli %squeeze3A_344, %mul3A_352 : i32
    %multiple_of3A_354 = tpu.assume_multiple %mul3A_353, 32 : i32
    %dma_start3A_355 = arith.constant 15 : i32
    %dma_start3A_356 = arith.constant 0 : i32
    %dma_start3A_357 = arith.constant 0 : i32
    %dma_start3A_358 = tpu.memref_slice %arg8[%dma_start3A_355, %dma_start3A_356, %dma_start3A_357] : memref<16x32x128xf32, #tpu.memory_space<vmem>> -> memref<1x32x128xf32, #tpu.memory_space<vmem>>
    %dma_start3A_359 = tpu.memref_squeeze %dma_start3A_358 : memref<1x32x128xf32, #tpu.memory_space<vmem>> -> memref<32x128xf32, #tpu.memory_space<vmem>>
    %dma_start3A_360 = tpu.memref_slice %arg2[%multiple_of3A_354, %multiple_of3A_351] : memref<832x100000xf32, #tpu.memory_space<hbm>> -> memref<32x128xf32, #tpu.memory_space<hbm>>
    %dma_start3A_361 = arith.constant 0 : i32
    %dma_start3A_362 = arith.constant 0 : i32
    %dma_start3A_363 = tpu.memref_slice %arg8[%dma_start3A_355, %dma_start3A_361, %dma_start3A_362] : memref<16x32x128xf32, #tpu.memory_space<vmem>> -> memref<1x32x128xf32, #tpu.memory_space<vmem>>
    %dma_start3A_364 = tpu.memref_squeeze %dma_start3A_363 : memref<1x32x128xf32, #tpu.memory_space<vmem>> -> memref<32x128xf32, #tpu.memory_space<vmem>>
    %dma_start3A_365 = tpu.memref_slice %arg2[%multiple_of3A_354, %multiple_of3A_351] : memref<832x100000xf32, #tpu.memory_space<hbm>> -> memref<32x128xf32, #tpu.memory_space<hbm>>
    tpu.enqueue_dma source(%dma_start3A_365 : memref<32x128xf32, #tpu.memory_space<hbm>>) target(%dma_start3A_364 : memref<32x128xf32, #tpu.memory_space<vmem>>) target_semaphore(%arg11 : memref<!tpu.dma_semaphore, #tpu.memory_space<semaphore_mem>>)
    %scan3A = arith.constant 0 : i32
    %scan3A_366 = arith.constant 32 : i32
    %scan3A_367 = arith.addi %scan3A, %scan3A_366 : i32
    %scan3A_368 = arith.constant 1 : i32
    %scan3A_369:2 = scf.for %scan3A_371 = %scan3A to %scan3A_367 step %scan3A_368 iter_args(%scan3A_372 = %get3A_1, %scan3A_373 = %get3A_3) -> (vector<16xi32>, vector<16xi32>)  : i32 {
      %add3A_374 = arith.constant 1 : i32
      %add3A_375 = arith.addi %scan3A_371, %add3A_374 : i32
      %min3A = arith.constant 31 : i32
      %min3A_376 = arith.minsi %add3A_375, %min3A : i32
      %mul3A_377 = arith.constant 16 : i32
      %mul3A_378 = arith.muli %min3A_376, %mul3A_377 : i32
      %get3A_379 = arith.index_cast %mul3A_378 : i32 to index
      %get3A_380 = tpu.vector_load %arg6[%get3A_379] {strides = array<i32>} : memref<512xi32, #tpu.memory_space<vmem>>, vector<16xi32>,
      %get3A_381 = arith.index_cast %mul3A_378 : i32 to index
      %get3A_382 = tpu.vector_load %arg7[%get3A_381] {strides = array<i32>} : memref<512xi32, #tpu.memory_space<vmem>>, vector<16xi32>,
      %dma_wait3A = arith.constant 0 : i32
      %dma_wait3A_383 = arith.constant 0 : i32
      %dma_wait3A_384 = arith.constant 0 : i32
      %dma_wait3A_385 = tpu.memref_slice %arg8[%dma_wait3A, %dma_wait3A_383, %dma_wait3A_384] : memref<16x32x128xf32, #tpu.memory_space<vmem>> -> memref<1x32x128xf32, #tpu.memory_space<vmem>>
      %dma_wait3A_386 = tpu.memref_squeeze %dma_wait3A_385 : memref<1x32x128xf32, #tpu.memory_space<vmem>> -> memref<32x128xf32, #tpu.memory_space<vmem>>
      %dma_wait3A_387 = arith.constant 0 : i32
      %dma_wait3A_388 = arith.constant 0 : i32
      %dma_wait3A_389 = tpu.memref_slice %arg2[%dma_wait3A_387, %dma_wait3A_388] : memref<832x100000xf32, #tpu.memory_space<hbm>> -> memref<32x128xf32, #tpu.memory_space<hbm>>
      %dma_wait3A_390 = arith.constant 0 : i32
      %dma_wait3A_391 = arith.constant 0 : i32
      %dma_wait3A_392 = tpu.memref_slice %arg8[%dma_wait3A, %dma_wait3A_390, %dma_wait3A_391] : memref<16x32x128xf32, #tpu.memory_space<vmem>> -> memref<1x32x128xf32, #tpu.memory_space<vmem>>
      %dma_wait3A_393 = tpu.memref_squeeze %dma_wait3A_392 : memref<1x32x128xf32, #tpu.memory_space<vmem>> -> memref<32x128xf32, #tpu.memory_space<vmem>>
      %dma_wait3A_394 = arith.constant 0 : i32
      %dma_wait3A_395 = arith.constant 0 : i32
      %dma_wait3A_396 = tpu.memref_slice %arg2[%dma_wait3A_394, %dma_wait3A_395] : memref<832x100000xf32, #tpu.memory_space<hbm>> -> memref<32x128xf32, #tpu.memory_space<hbm>>
      tpu.wait_dma2 semaphore(%arg10 : memref<!tpu.dma_semaphore, #tpu.memory_space<semaphore_mem>>) src(%dma_wait3A_396 : memref<32x128xf32, #tpu.memory_space<hbm>>) dst(%dma_wait3A_393 : memref<32x128xf32, #tpu.memory_space<vmem>>)
      %dma_wait3A_397 = arith.constant 1 : i32
      %dma_wait3A_398 = arith.constant 0 : i32
      %dma_wait3A_399 = arith.constant 0 : i32
      %dma_wait3A_400 = tpu.memref_slice %arg8[%dma_wait3A_397, %dma_wait3A_398, %dma_wait3A_399] : memref<16x32x128xf32, #tpu.memory_space<vmem>> -> memref<1x32x128xf32, #tpu.memory_space<vmem>>
      %dma_wait3A_401 = tpu.memref_squeeze %dma_wait3A_400 : memref<1x32x128xf32, #tpu.memory_space<vmem>> -> memref<32x128xf32, #tpu.memory_space<vmem>>
      %dma_wait3A_402 = arith.constant 0 : i32
      %dma_wait3A_403 = arith.constant 0 : i32
      %dma_wait3A_404 = tpu.memref_slice %arg2[%dma_wait3A_402, %dma_wait3A_403] : memref<832x100000xf32, #tpu.memory_space<hbm>> -> memref<32x128xf32, #tpu.memory_space<hbm>>
      %dma_wait3A_405 = arith.constant 0 : i32
      %dma_wait3A_406 = arith.constant 0 : i32
      %dma_wait3A_407 = tpu.memref_slice %arg8[%dma_wait3A_397, %dma_wait3A_405, %dma_wait3A_406] : memref<16x32x128xf32, #tpu.memory_space<vmem>> -> memref<1x32x128xf32, #tpu.memory_space<vmem>>
      %dma_wait3A_408 = tpu.memref_squeeze %dma_wait3A_407 : memref<1x32x128xf32, #tpu.memory_space<vmem>> -> memref<32x128xf32, #tpu.memory_space<vmem>>
      %dma_wait3A_409 = arith.constant 0 : i32
      %dma_wait3A_410 = arith.constant 0 : i32
      %dma_wait3A_411 = tpu.memref_slice %arg2[%dma_wait3A_409, %dma_wait3A_410] : memref<832x100000xf32, #tpu.memory_space<hbm>> -> memref<32x128xf32, #tpu.memory_space<hbm>>
      tpu.wait_dma2 semaphore(%arg10 : memref<!tpu.dma_semaphore, #tpu.memory_space<semaphore_mem>>) src(%dma_wait3A_411 : memref<32x128xf32, #tpu.memory_space<hbm>>) dst(%dma_wait3A_408 : memref<32x128xf32, #tpu.memory_space<vmem>>)
      %dma_wait3A_412 = arith.constant 2 : i32
      %dma_wait3A_413 = arith.constant 0 : i32
      %dma_wait3A_414 = arith.constant 0 : i32
      %dma_wait3A_415 = tpu.memref_slice %arg8[%dma_wait3A_412, %dma_wait3A_413, %dma_wait3A_414] : memref<16x32x128xf32, #tpu.memory_space<vmem>> -> memref<1x32x128xf32, #tpu.memory_space<vmem>>
      %dma_wait3A_416 = tpu.memref_squeeze %dma_wait3A_415 : memref<1x32x128xf32, #tpu.memory_space<vmem>> -> memref<32x128xf32, #tpu.memory_space<vmem>>
      %dma_wait3A_417 = arith.constant 0 : i32
      %dma_wait3A_418 = arith.constant 0 : i32
      %dma_wait3A_419 = tpu.memref_slice %arg2[%dma_wait3A_417, %dma_wait3A_418] : memref<832x100000xf32, #tpu.memory_space<hbm>> -> memref<32x128xf32, #tpu.memory_space<hbm>>
      %dma_wait3A_420 = arith.constant 0 : i32
      %dma_wait3A_421 = arith.constant 0 : i32
      %dma_wait3A_422 = tpu.memref_slice %arg8[%dma_wait3A_412, %dma_wait3A_420, %dma_wait3A_421] : memref<16x32x128xf32, #tpu.memory_space<vmem>> -> memref<1x32x128xf32, #tpu.memory_space<vmem>>
      %dma_wait3A_423 = tpu.memref_squeeze %dma_wait3A_422 : memref<1x32x128xf32, #tpu.memory_space<vmem>> -> memref<32x128xf32, #tpu.memory_space<vmem>>
      %dma_wait3A_424 = arith.constant 0 : i32
      %dma_wait3A_425 = arith.constant 0 : i32
      %dma_wait3A_426 = tpu.memref_slice %arg2[%dma_wait3A_424, %dma_wait3A_425] : memref<832x100000xf32, #tpu.memory_space<hbm>> -> memref<32x128xf32, #tpu.memory_space<hbm>>
      tpu.wait_dma2 semaphore(%arg10 : memref<!tpu.dma_semaphore, #tpu.memory_space<semaphore_mem>>) src(%dma_wait3A_426 : memref<32x128xf32, #tpu.memory_space<hbm>>) dst(%dma_wait3A_423 : memref<32x128xf32, #tpu.memory_space<vmem>>)
      %dma_wait3A_427 = arith.constant 3 : i32
      %dma_wait3A_428 = arith.constant 0 : i32
      %dma_wait3A_429 = arith.constant 0 : i32
      %dma_wait3A_430 = tpu.memref_slice %arg8[%dma_wait3A_427, %dma_wait3A_428, %dma_wait3A_429] : memref<16x32x128xf32, #tpu.memory_space<vmem>> -> memref<1x32x128xf32, #tpu.memory_space<vmem>>
      %dma_wait3A_431 = tpu.memref_squeeze %dma_wait3A_430 : memref<1x32x128xf32, #tpu.memory_space<vmem>> -> memref<32x128xf32, #tpu.memory_space<vmem>>
      %dma_wait3A_432 = arith.constant 0 : i32
      %dma_wait3A_433 = arith.constant 0 : i32
      %dma_wait3A_434 = tpu.memref_slice %arg2[%dma_wait3A_432, %dma_wait3A_433] : memref<832x100000xf32, #tpu.memory_space<hbm>> -> memref<32x128xf32, #tpu.memory_space<hbm>>
      %dma_wait3A_435 = arith.constant 0 : i32
      %dma_wait3A_436 = arith.constant 0 : i32
      %dma_wait3A_437 = tpu.memref_slice %arg8[%dma_wait3A_427, %dma_wait3A_435, %dma_wait3A_436] : memref<16x32x128xf32, #tpu.memory_space<vmem>> -> memref<1x32x128xf32, #tpu.memory_space<vmem>>
      %dma_wait3A_438 = tpu.memref_squeeze %dma_wait3A_437 : memref<1x32x128xf32, #tpu.memory_space<vmem>> -> memref<32x128xf32, #tpu.memory_space<vmem>>
      %dma_wait3A_439 = arith.constant 0 : i32
      %dma_wait3A_440 = arith.constant 0 : i32
      %dma_wait3A_441 = tpu.memref_slice %arg2[%dma_wait3A_439, %dma_wait3A_440] : memref<832x100000xf32, #tpu.memory_space<hbm>> -> memref<32x128xf32, #tpu.memory_space<hbm>>
      tpu.wait_dma2 semaphore(%arg10 : memref<!tpu.dma_semaphore, #tpu.memory_space<semaphore_mem>>) src(%dma_wait3A_441 : memref<32x128xf32, #tpu.memory_space<hbm>>) dst(%dma_wait3A_438 : memref<32x128xf32, #tpu.memory_space<vmem>>)
      %dma_wait3A_442 = arith.constant 4 : i32
      %dma_wait3A_443 = arith.constant 0 : i32
      %dma_wait3A_444 = arith.constant 0 : i32
      %dma_wait3A_445 = tpu.memref_slice %arg8[%dma_wait3A_442, %dma_wait3A_443, %dma_wait3A_444] : memref<16x32x128xf32, #tpu.memory_space<vmem>> -> memref<1x32x128xf32, #tpu.memory_space<vmem>>
      %dma_wait3A_446 = tpu.memref_squeeze %dma_wait3A_445 : memref<1x32x128xf32, #tpu.memory_space<vmem>> -> memref<32x128xf32, #tpu.memory_space<vmem>>
      %dma_wait3A_447 = arith.constant 0 : i32
      %dma_wait3A_448 = arith.constant 0 : i32
      %dma_wait3A_449 = tpu.memref_slice %arg2[%dma_wait3A_447, %dma_wait3A_448] : memref<832x100000xf32, #tpu.memory_space<hbm>> -> memref<32x128xf32, #tpu.memory_space<hbm>>
      %dma_wait3A_450 = arith.constant 0 : i32
      %dma_wait3A_451 = arith.constant 0 : i32
      %dma_wait3A_452 = tpu.memref_slice %arg8[%dma_wait3A_442, %dma_wait3A_450, %dma_wait3A_451] : memref<16x32x128xf32, #tpu.memory_space<vmem>> -> memref<1x32x128xf32, #tpu.memory_space<vmem>>
      %dma_wait3A_453 = tpu.memref_squeeze %dma_wait3A_452 : memref<1x32x128xf32, #tpu.memory_space<vmem>> -> memref<32x128xf32, #tpu.memory_space<vmem>>
      %dma_wait3A_454 = arith.constant 0 : i32
      %dma_wait3A_455 = arith.constant 0 : i32
      %dma_wait3A_456 = tpu.memref_slice %arg2[%dma_wait3A_454, %dma_wait3A_455] : memref<832x100000xf32, #tpu.memory_space<hbm>> -> memref<32x128xf32, #tpu.memory_space<hbm>>
      tpu.wait_dma2 semaphore(%arg10 : memref<!tpu.dma_semaphore, #tpu.memory_space<semaphore_mem>>) src(%dma_wait3A_456 : memref<32x128xf32, #tpu.memory_space<hbm>>) dst(%dma_wait3A_453 : memref<32x128xf32, #tpu.memory_space<vmem>>)
      %dma_wait3A_457 = arith.constant 5 : i32
      %dma_wait3A_458 = arith.constant 0 : i32
      %dma_wait3A_459 = arith.constant 0 : i32
      %dma_wait3A_460 = tpu.memref_slice %arg8[%dma_wait3A_457, %dma_wait3A_458, %dma_wait3A_459] : memref<16x32x128xf32, #tpu.memory_space<vmem>> -> memref<1x32x128xf32, #tpu.memory_space<vmem>>
      %dma_wait3A_461 = tpu.memref_squeeze %dma_wait3A_460 : memref<1x32x128xf32, #tpu.memory_space<vmem>> -> memref<32x128xf32, #tpu.memory_space<vmem>>
      %dma_wait3A_462 = arith.constant 0 : i32
      %dma_wait3A_463 = arith.constant 0 : i32
      %dma_wait3A_464 = tpu.memref_slice %arg2[%dma_wait3A_462, %dma_wait3A_463] : memref<832x100000xf32, #tpu.memory_space<hbm>> -> memref<32x128xf32, #tpu.memory_space<hbm>>
      %dma_wait3A_465 = arith.constant 0 : i32
      %dma_wait3A_466 = arith.constant 0 : i32
      %dma_wait3A_467 = tpu.memref_slice %arg8[%dma_wait3A_457, %dma_wait3A_465, %dma_wait3A_466] : memref<16x32x128xf32, #tpu.memory_space<vmem>> -> memref<1x32x128xf32, #tpu.memory_space<vmem>>
      %dma_wait3A_468 = tpu.memref_squeeze %dma_wait3A_467 : memref<1x32x128xf32, #tpu.memory_space<vmem>> -> memref<32x128xf32, #tpu.memory_space<vmem>>
      %dma_wait3A_469 = arith.constant 0 : i32
      %dma_wait3A_470 = arith.constant 0 : i32
      %dma_wait3A_471 = tpu.memref_slice %arg2[%dma_wait3A_469, %dma_wait3A_470] : memref<832x100000xf32, #tpu.memory_space<hbm>> -> memref<32x128xf32, #tpu.memory_space<hbm>>
      tpu.wait_dma2 semaphore(%arg10 : memref<!tpu.dma_semaphore, #tpu.memory_space<semaphore_mem>>) src(%dma_wait3A_471 : memref<32x128xf32, #tpu.memory_space<hbm>>) dst(%dma_wait3A_468 : memref<32x128xf32, #tpu.memory_space<vmem>>)
      %dma_wait3A_472 = arith.constant 6 : i32
      %dma_wait3A_473 = arith.constant 0 : i32
      %dma_wait3A_474 = arith.constant 0 : i32
      %dma_wait3A_475 = tpu.memref_slice %arg8[%dma_wait3A_472, %dma_wait3A_473, %dma_wait3A_474] : memref<16x32x128xf32, #tpu.memory_space<vmem>> -> memref<1x32x128xf32, #tpu.memory_space<vmem>>
      %dma_wait3A_476 = tpu.memref_squeeze %dma_wait3A_475 : memref<1x32x128xf32, #tpu.memory_space<vmem>> -> memref<32x128xf32, #tpu.memory_space<vmem>>
      %dma_wait3A_477 = arith.constant 0 : i32
      %dma_wait3A_478 = arith.constant 0 : i32
      %dma_wait3A_479 = tpu.memref_slice %arg2[%dma_wait3A_477, %dma_wait3A_478] : memref<832x100000xf32, #tpu.memory_space<hbm>> -> memref<32x128xf32, #tpu.memory_space<hbm>>
      %dma_wait3A_480 = arith.constant 0 : i32
      %dma_wait3A_481 = arith.constant 0 : i32
      %dma_wait3A_482 = tpu.memref_slice %arg8[%dma_wait3A_472, %dma_wait3A_480, %dma_wait3A_481] : memref<16x32x128xf32, #tpu.memory_space<vmem>> -> memref<1x32x128xf32, #tpu.memory_space<vmem>>
      %dma_wait3A_483 = tpu.memref_squeeze %dma_wait3A_482 : memref<1x32x128xf32, #tpu.memory_space<vmem>> -> memref<32x128xf32, #tpu.memory_space<vmem>>
      %dma_wait3A_484 = arith.constant 0 : i32
      %dma_wait3A_485 = arith.constant 0 : i32
      %dma_wait3A_486 = tpu.memref_slice %arg2[%dma_wait3A_484, %dma_wait3A_485] : memref<832x100000xf32, #tpu.memory_space<hbm>> -> memref<32x128xf32, #tpu.memory_space<hbm>>
      tpu.wait_dma2 semaphore(%arg10 : memref<!tpu.dma_semaphore, #tpu.memory_space<semaphore_mem>>) src(%dma_wait3A_486 : memref<32x128xf32, #tpu.memory_space<hbm>>) dst(%dma_wait3A_483 : memref<32x128xf32, #tpu.memory_space<vmem>>)
      %dma_wait3A_487 = arith.constant 7 : i32
      %dma_wait3A_488 = arith.constant 0 : i32
      %dma_wait3A_489 = arith.constant 0 : i32
      %dma_wait3A_490 = tpu.memref_slice %arg8[%dma_wait3A_487, %dma_wait3A_488, %dma_wait3A_489] : memref<16x32x128xf32, #tpu.memory_space<vmem>> -> memref<1x32x128xf32, #tpu.memory_space<vmem>>
      %dma_wait3A_491 = tpu.memref_squeeze %dma_wait3A_490 : memref<1x32x128xf32, #tpu.memory_space<vmem>> -> memref<32x128xf32, #tpu.memory_space<vmem>>
      %dma_wait3A_492 = arith.constant 0 : i32
      %dma_wait3A_493 = arith.constant 0 : i32
      %dma_wait3A_494 = tpu.memref_slice %arg2[%dma_wait3A_492, %dma_wait3A_493] : memref<832x100000xf32, #tpu.memory_space<hbm>> -> memref<32x128xf32, #tpu.memory_space<hbm>>
      %dma_wait3A_495 = arith.constant 0 : i32
      %dma_wait3A_496 = arith.constant 0 : i32
      %dma_wait3A_497 = tpu.memref_slice %arg8[%dma_wait3A_487, %dma_wait3A_495, %dma_wait3A_496] : memref<16x32x128xf32, #tpu.memory_space<vmem>> -> memref<1x32x128xf32, #tpu.memory_space<vmem>>
      %dma_wait3A_498 = tpu.memref_squeeze %dma_wait3A_497 : memref<1x32x128xf32, #tpu.memory_space<vmem>> -> memref<32x128xf32, #tpu.memory_space<vmem>>
      %dma_wait3A_499 = arith.constant 0 : i32
      %dma_wait3A_500 = arith.constant 0 : i32
      %dma_wait3A_501 = tpu.memref_slice %arg2[%dma_wait3A_499, %dma_wait3A_500] : memref<832x100000xf32, #tpu.memory_space<hbm>> -> memref<32x128xf32, #tpu.memory_space<hbm>>
      tpu.wait_dma2 semaphore(%arg10 : memref<!tpu.dma_semaphore, #tpu.memory_space<semaphore_mem>>) src(%dma_wait3A_501 : memref<32x128xf32, #tpu.memory_space<hbm>>) dst(%dma_wait3A_498 : memref<32x128xf32, #tpu.memory_space<vmem>>)
      %and3A = arith.constant 127 : i32
      %and3A_502 = vector.broadcast %and3A : i32 to vector<16xi32>
      %and3A_503 = arith.andi %scan3A_373, %and3A_502 : vector<16xi32>
      %slice3A_504 = vector.extract_strided_slice %and3A_503 {offsets = [0], sizes = [1], strides = [1]} : vector<16xi32> to vector<1xi32>
      %squeeze3A_505 = vector.extract %slice3A_504[0] : i32 from vector<1xi32>
      %broadcast_in_dim3A = vector.broadcast %squeeze3A_505 : i32 to vector<16xi32>
      %broadcast_in_dim3A_506 = arith.constant 0 : i32
      %broadcast_in_dim3A_507 = vector.broadcast %broadcast_in_dim3A_506 : i32 to vector<16xi32>
      %add3A_508 = arith.constant 0 : i32
      %add3A_509 = vector.broadcast %add3A_508 : i32 to vector<16xi32>
      %add3A_510 = arith.addi %iota3A, %add3A_509 : vector<16xi32>
      %gather3A = tpu.vector_load_idx %arg8[%broadcast_in_dim3A_507, %add3A_510, %broadcast_in_dim3A] : memref<16x32x128xf32, #tpu.memory_space<vmem>>[vector<16xi32>, vector<16xi32>, vector<16xi32>], vector<16xf32>,
      %swap3A = arith.constant 0 : i32
      %swap3A_511 = arith.index_cast %swap3A : i32 to index
      %swap3A_512 = arith.constant 0 : index
      %swap3A_513 = tpu.vector_load %arg9[%swap3A_511, %swap3A_512] {strides = array<i32>} : memref<16x32xf32, #tpu.memory_space<vmem>>, vector<16xf32>,
      tpu.vector_store %arg9[%swap3A_511, %swap3A_512], %gather3A {strides = array<i32>} : memref<16x32xf32, #tpu.memory_space<vmem>>, vector<16xf32>,
      %add3A_514 = arith.constant 16 : i32
      %add3A_515 = vector.broadcast %add3A_514 : i32 to vector<16xi32>
      %add3A_516 = arith.addi %iota3A, %add3A_515 : vector<16xi32>
      %gather3A_517 = tpu.vector_load_idx %arg8[%broadcast_in_dim3A_507, %add3A_516, %broadcast_in_dim3A] : memref<16x32x128xf32, #tpu.memory_space<vmem>>[vector<16xi32>, vector<16xi32>, vector<16xi32>], vector<16xf32>,
      %swap3A_518 = arith.constant 0 : i32
      %swap3A_519 = arith.index_cast %swap3A_518 : i32 to index
      %swap3A_520 = arith.constant 16 : index
      %swap3A_521 = tpu.vector_load %arg9[%swap3A_519, %swap3A_520] {strides = array<i32>} : memref<16x32xf32, #tpu.memory_space<vmem>>, vector<16xf32>,
      tpu.vector_store %arg9[%swap3A_519, %swap3A_520], %gather3A_517 {strides = array<i32>} : memref<16x32xf32, #tpu.memory_space<vmem>>, vector<16xf32>,
      %slice3A_522 = vector.extract_strided_slice %and3A_503 {offsets = [1], sizes = [1], strides = [1]} : vector<16xi32> to vector<1xi32>
      %squeeze3A_523 = vector.extract %slice3A_522[0] : i32 from vector<1xi32>
      %broadcast_in_dim3A_524 = vector.broadcast %squeeze3A_523 : i32 to vector<16xi32>
      %broadcast_in_dim3A_525 = arith.constant 1 : i32
      %broadcast_in_dim3A_526 = vector.broadcast %broadcast_in_dim3A_525 : i32 to vector<16xi32>
      %add3A_527 = arith.constant 0 : i32
      %add3A_528 = vector.broadcast %add3A_527 : i32 to vector<16xi32>
      %add3A_529 = arith.addi %iota3A, %add3A_528 : vector<16xi32>
      %gather3A_530 = tpu.vector_load_idx %arg8[%broadcast_in_dim3A_526, %add3A_529, %broadcast_in_dim3A_524] : memref<16x32x128xf32, #tpu.memory_space<vmem>>[vector<16xi32>, vector<16xi32>, vector<16xi32>], vector<16xf32>,
      %swap3A_531 = arith.constant 1 : i32
      %swap3A_532 = arith.index_cast %swap3A_531 : i32 to index
      %swap3A_533 = arith.constant 0 : index
      %swap3A_534 = tpu.vector_load %arg9[%swap3A_532, %swap3A_533] {strides = array<i32>} : memref<16x32xf32, #tpu.memory_space<vmem>>, vector<16xf32>,
      tpu.vector_store %arg9[%swap3A_532, %swap3A_533], %gather3A_530 {strides = array<i32>} : memref<16x32xf32, #tpu.memory_space<vmem>>, vector<16xf32>,
      %add3A_535 = arith.constant 16 : i32
      %add3A_536 = vector.broadcast %add3A_535 : i32 to vector<16xi32>
      %add3A_537 = arith.addi %iota3A, %add3A_536 : vector<16xi32>
      %gather3A_538 = tpu.vector_load_idx %arg8[%broadcast_in_dim3A_526, %add3A_537, %broadcast_in_dim3A_524] : memref<16x32x128xf32, #tpu.memory_space<vmem>>[vector<16xi32>, vector<16xi32>, vector<16xi32>], vector<16xf32>,
      %swap3A_539 = arith.constant 1 : i32
      %swap3A_540 = arith.index_cast %swap3A_539 : i32 to index
      %swap3A_541 = arith.constant 16 : index
      %swap3A_542 = tpu.vector_load %arg9[%swap3A_540, %swap3A_541] {strides = array<i32>} : memref<16x32xf32, #tpu.memory_space<vmem>>, vector<16xf32>,
      tpu.vector_store %arg9[%swap3A_540, %swap3A_541], %gather3A_538 {strides = array<i32>} : memref<16x32xf32, #tpu.memory_space<vmem>>, vector<16xf32>,
      %slice3A_543 = vector.extract_strided_slice %and3A_503 {offsets = [2], sizes = [1], strides = [1]} : vector<16xi32> to vector<1xi32>
      %squeeze3A_544 = vector.extract %slice3A_543[0] : i32 from vector<1xi32>
      %broadcast_in_dim3A_545 = vector.broadcast %squeeze3A_544 : i32 to vector<16xi32>
      %broadcast_in_dim3A_546 = arith.constant 2 : i32
      %broadcast_in_dim3A_547 = vector.broadcast %broadcast_in_dim3A_546 : i32 to vector<16xi32>
      %add3A_548 = arith.constant 0 : i32
      %add3A_549 = vector.broadcast %add3A_548 : i32 to vector<16xi32>
      %add3A_550 = arith.addi %iota3A, %add3A_549 : vector<16xi32>
      %gather3A_551 = tpu.vector_load_idx %arg8[%broadcast_in_dim3A_547, %add3A_550, %broadcast_in_dim3A_545] : memref<16x32x128xf32, #tpu.memory_space<vmem>>[vector<16xi32>, vector<16xi32>, vector<16xi32>], vector<16xf32>,
      %swap3A_552 = arith.constant 2 : i32
      %swap3A_553 = arith.index_cast %swap3A_552 : i32 to index
      %swap3A_554 = arith.constant 0 : index
      %swap3A_555 = tpu.vector_load %arg9[%swap3A_553, %swap3A_554] {strides = array<i32>} : memref<16x32xf32, #tpu.memory_space<vmem>>, vector<16xf32>,
      tpu.vector_store %arg9[%swap3A_553, %swap3A_554], %gather3A_551 {strides = array<i32>} : memref<16x32xf32, #tpu.memory_space<vmem>>, vector<16xf32>,
      %add3A_556 = arith.constant 16 : i32
      %add3A_557 = vector.broadcast %add3A_556 : i32 to vector<16xi32>
      %add3A_558 = arith.addi %iota3A, %add3A_557 : vector<16xi32>
      %gather3A_559 = tpu.vector_load_idx %arg8[%broadcast_in_dim3A_547, %add3A_558, %broadcast_in_dim3A_545] : memref<16x32x128xf32, #tpu.memory_space<vmem>>[vector<16xi32>, vector<16xi32>, vector<16xi32>], vector<16xf32>,
      %swap3A_560 = arith.constant 2 : i32
      %swap3A_561 = arith.index_cast %swap3A_560 : i32 to index
      %swap3A_562 = arith.constant 16 : index
      %swap3A_563 = tpu.vector_load %arg9[%swap3A_561, %swap3A_562] {strides = array<i32>} : memref<16x32xf32, #tpu.memory_space<vmem>>, vector<16xf32>,
      tpu.vector_store %arg9[%swap3A_561, %swap3A_562], %gather3A_559 {strides = array<i32>} : memref<16x32xf32, #tpu.memory_space<vmem>>, vector<16xf32>,
      %slice3A_564 = vector.extract_strided_slice %and3A_503 {offsets = [3], sizes = [1], strides = [1]} : vector<16xi32> to vector<1xi32>
      %squeeze3A_565 = vector.extract %slice3A_564[0] : i32 from vector<1xi32>
      %broadcast_in_dim3A_566 = vector.broadcast %squeeze3A_565 : i32 to vector<16xi32>
      %broadcast_in_dim3A_567 = arith.constant 3 : i32
      %broadcast_in_dim3A_568 = vector.broadcast %broadcast_in_dim3A_567 : i32 to vector<16xi32>
      %add3A_569 = arith.constant 0 : i32
      %add3A_570 = vector.broadcast %add3A_569 : i32 to vector<16xi32>
      %add3A_571 = arith.addi %iota3A, %add3A_570 : vector<16xi32>
      %gather3A_572 = tpu.vector_load_idx %arg8[%broadcast_in_dim3A_568, %add3A_571, %broadcast_in_dim3A_566] : memref<16x32x128xf32, #tpu.memory_space<vmem>>[vector<16xi32>, vector<16xi32>, vector<16xi32>], vector<16xf32>,
      %swap3A_573 = arith.constant 3 : i32
      %swap3A_574 = arith.index_cast %swap3A_573 : i32 to index
      %swap3A_575 = arith.constant 0 : index
      %swap3A_576 = tpu.vector_load %arg9[%swap3A_574, %swap3A_575] {strides = array<i32>} : memref<16x32xf32, #tpu.memory_space<vmem>>, vector<16xf32>,
      tpu.vector_store %arg9[%swap3A_574, %swap3A_575], %gather3A_572 {strides = array<i32>} : memref<16x32xf32, #tpu.memory_space<vmem>>, vector<16xf32>,
      %add3A_577 = arith.constant 16 : i32
      %add3A_578 = vector.broadcast %add3A_577 : i32 to vector<16xi32>
      %add3A_579 = arith.addi %iota3A, %add3A_578 : vector<16xi32>
      %gather3A_580 = tpu.vector_load_idx %arg8[%broadcast_in_dim3A_568, %add3A_579, %broadcast_in_dim3A_566] : memref<16x32x128xf32, #tpu.memory_space<vmem>>[vector<16xi32>, vector<16xi32>, vector<16xi32>], vector<16xf32>,
      %swap3A_581 = arith.constant 3 : i32
      %swap3A_582 = arith.index_cast %swap3A_581 : i32 to index
      %swap3A_583 = arith.constant 16 : index
      %swap3A_584 = tpu.vector_load %arg9[%swap3A_582, %swap3A_583] {strides = array<i32>} : memref<16x32xf32, #tpu.memory_space<vmem>>, vector<16xf32>,
      tpu.vector_store %arg9[%swap3A_582, %swap3A_583], %gather3A_580 {strides = array<i32>} : memref<16x32xf32, #tpu.memory_space<vmem>>, vector<16xf32>,
      %slice3A_585 = vector.extract_strided_slice %and3A_503 {offsets = [4], sizes = [1], strides = [1]} : vector<16xi32> to vector<1xi32>
      %squeeze3A_586 = vector.extract %slice3A_585[0] : i32 from vector<1xi32>
      %broadcast_in_dim3A_587 = vector.broadcast %squeeze3A_586 : i32 to vector<16xi32>
      %broadcast_in_dim3A_588 = arith.constant 4 : i32
      %broadcast_in_dim3A_589 = vector.broadcast %broadcast_in_dim3A_588 : i32 to vector<16xi32>
      %add3A_590 = arith.constant 0 : i32
      %add3A_591 = vector.broadcast %add3A_590 : i32 to vector<16xi32>
      %add3A_592 = arith.addi %iota3A, %add3A_591 : vector<16xi32>
      %gather3A_593 = tpu.vector_load_idx %arg8[%broadcast_in_dim3A_589, %add3A_592, %broadcast_in_dim3A_587] : memref<16x32x128xf32, #tpu.memory_space<vmem>>[vector<16xi32>, vector<16xi32>, vector<16xi32>], vector<16xf32>,
      %swap3A_594 = arith.constant 4 : i32
      %swap3A_595 = arith.index_cast %swap3A_594 : i32 to index
      %swap3A_596 = arith.constant 0 : index
      %swap3A_597 = tpu.vector_load %arg9[%swap3A_595, %swap3A_596] {strides = array<i32>} : memref<16x32xf32, #tpu.memory_space<vmem>>, vector<16xf32>,
      tpu.vector_store %arg9[%swap3A_595, %swap3A_596], %gather3A_593 {strides = array<i32>} : memref<16x32xf32, #tpu.memory_space<vmem>>, vector<16xf32>,
      %add3A_598 = arith.constant 16 : i32
      %add3A_599 = vector.broadcast %add3A_598 : i32 to vector<16xi32>
      %add3A_600 = arith.addi %iota3A, %add3A_599 : vector<16xi32>
      %gather3A_601 = tpu.vector_load_idx %arg8[%broadcast_in_dim3A_589, %add3A_600, %broadcast_in_dim3A_587] : memref<16x32x128xf32, #tpu.memory_space<vmem>>[vector<16xi32>, vector<16xi32>, vector<16xi32>], vector<16xf32>,
      %swap3A_602 = arith.constant 4 : i32
      %swap3A_603 = arith.index_cast %swap3A_602 : i32 to index
      %swap3A_604 = arith.constant 16 : index
      %swap3A_605 = tpu.vector_load %arg9[%swap3A_603, %swap3A_604] {strides = array<i32>} : memref<16x32xf32, #tpu.memory_space<vmem>>, vector<16xf32>,
      tpu.vector_store %arg9[%swap3A_603, %swap3A_604], %gather3A_601 {strides = array<i32>} : memref<16x32xf32, #tpu.memory_space<vmem>>, vector<16xf32>,
      %slice3A_606 = vector.extract_strided_slice %and3A_503 {offsets = [5], sizes = [1], strides = [1]} : vector<16xi32> to vector<1xi32>
      %squeeze3A_607 = vector.extract %slice3A_606[0] : i32 from vector<1xi32>
      %broadcast_in_dim3A_608 = vector.broadcast %squeeze3A_607 : i32 to vector<16xi32>
      %broadcast_in_dim3A_609 = arith.constant 5 : i32
      %broadcast_in_dim3A_610 = vector.broadcast %broadcast_in_dim3A_609 : i32 to vector<16xi32>
      %add3A_611 = arith.constant 0 : i32
      %add3A_612 = vector.broadcast %add3A_611 : i32 to vector<16xi32>
      %add3A_613 = arith.addi %iota3A, %add3A_612 : vector<16xi32>
      %gather3A_614 = tpu.vector_load_idx %arg8[%broadcast_in_dim3A_610, %add3A_613, %broadcast_in_dim3A_608] : memref<16x32x128xf32, #tpu.memory_space<vmem>>[vector<16xi32>, vector<16xi32>, vector<16xi32>], vector<16xf32>,
      %swap3A_615 = arith.constant 5 : i32
      %swap3A_616 = arith.index_cast %swap3A_615 : i32 to index
      %swap3A_617 = arith.constant 0 : index
      %swap3A_618 = tpu.vector_load %arg9[%swap3A_616, %swap3A_617] {strides = array<i32>} : memref<16x32xf32, #tpu.memory_space<vmem>>, vector<16xf32>,
      tpu.vector_store %arg9[%swap3A_616, %swap3A_617], %gather3A_614 {strides = array<i32>} : memref<16x32xf32, #tpu.memory_space<vmem>>, vector<16xf32>,
      %add3A_619 = arith.constant 16 : i32
      %add3A_620 = vector.broadcast %add3A_619 : i32 to vector<16xi32>
      %add3A_621 = arith.addi %iota3A, %add3A_620 : vector<16xi32>
      %gather3A_622 = tpu.vector_load_idx %arg8[%broadcast_in_dim3A_610, %add3A_621, %broadcast_in_dim3A_608] : memref<16x32x128xf32, #tpu.memory_space<vmem>>[vector<16xi32>, vector<16xi32>, vector<16xi32>], vector<16xf32>,
      %swap3A_623 = arith.constant 5 : i32
      %swap3A_624 = arith.index_cast %swap3A_623 : i32 to index
      %swap3A_625 = arith.constant 16 : index
      %swap3A_626 = tpu.vector_load %arg9[%swap3A_624, %swap3A_625] {strides = array<i32>} : memref<16x32xf32, #tpu.memory_space<vmem>>, vector<16xf32>,
      tpu.vector_store %arg9[%swap3A_624, %swap3A_625], %gather3A_622 {strides = array<i32>} : memref<16x32xf32, #tpu.memory_space<vmem>>, vector<16xf32>,
      %slice3A_627 = vector.extract_strided_slice %and3A_503 {offsets = [6], sizes = [1], strides = [1]} : vector<16xi32> to vector<1xi32>
      %squeeze3A_628 = vector.extract %slice3A_627[0] : i32 from vector<1xi32>
      %broadcast_in_dim3A_629 = vector.broadcast %squeeze3A_628 : i32 to vector<16xi32>
      %broadcast_in_dim3A_630 = arith.constant 6 : i32
      %broadcast_in_dim3A_631 = vector.broadcast %broadcast_in_dim3A_630 : i32 to vector<16xi32>
      %add3A_632 = arith.constant 0 : i32
      %add3A_633 = vector.broadcast %add3A_632 : i32 to vector<16xi32>
      %add3A_634 = arith.addi %iota3A, %add3A_633 : vector<16xi32>
      %gather3A_635 = tpu.vector_load_idx %arg8[%broadcast_in_dim3A_631, %add3A_634, %broadcast_in_dim3A_629] : memref<16x32x128xf32, #tpu.memory_space<vmem>>[vector<16xi32>, vector<16xi32>, vector<16xi32>], vector<16xf32>,
      %swap3A_636 = arith.constant 6 : i32
      %swap3A_637 = arith.index_cast %swap3A_636 : i32 to index
      %swap3A_638 = arith.constant 0 : index
      %swap3A_639 = tpu.vector_load %arg9[%swap3A_637, %swap3A_638] {strides = array<i32>} : memref<16x32xf32, #tpu.memory_space<vmem>>, vector<16xf32>,
      tpu.vector_store %arg9[%swap3A_637, %swap3A_638], %gather3A_635 {strides = array<i32>} : memref<16x32xf32, #tpu.memory_space<vmem>>, vector<16xf32>,
      %add3A_640 = arith.constant 16 : i32
      %add3A_641 = vector.broadcast %add3A_640 : i32 to vector<16xi32>
      %add3A_642 = arith.addi %iota3A, %add3A_641 : vector<16xi32>
      %gather3A_643 = tpu.vector_load_idx %arg8[%broadcast_in_dim3A_631, %add3A_642, %broadcast_in_dim3A_629] : memref<16x32x128xf32, #tpu.memory_space<vmem>>[vector<16xi32>, vector<16xi32>, vector<16xi32>], vector<16xf32>,
      %swap3A_644 = arith.constant 6 : i32
      %swap3A_645 = arith.index_cast %swap3A_644 : i32 to index
      %swap3A_646 = arith.constant 16 : index
      %swap3A_647 = tpu.vector_load %arg9[%swap3A_645, %swap3A_646] {strides = array<i32>} : memref<16x32xf32, #tpu.memory_space<vmem>>, vector<16xf32>,
      tpu.vector_store %arg9[%swap3A_645, %swap3A_646], %gather3A_643 {strides = array<i32>} : memref<16x32xf32, #tpu.memory_space<vmem>>, vector<16xf32>,
      %slice3A_648 = vector.extract_strided_slice %and3A_503 {offsets = [7], sizes = [1], strides = [1]} : vector<16xi32> to vector<1xi32>
      %squeeze3A_649 = vector.extract %slice3A_648[0] : i32 from vector<1xi32>
      %broadcast_in_dim3A_650 = vector.broadcast %squeeze3A_649 : i32 to vector<16xi32>
      %broadcast_in_dim3A_651 = arith.constant 7 : i32
      %broadcast_in_dim3A_652 = vector.broadcast %broadcast_in_dim3A_651 : i32 to vector<16xi32>
      %add3A_653 = arith.constant 0 : i32
      %add3A_654 = vector.broadcast %add3A_653 : i32 to vector<16xi32>
      %add3A_655 = arith.addi %iota3A, %add3A_654 : vector<16xi32>
      %gather3A_656 = tpu.vector_load_idx %arg8[%broadcast_in_dim3A_652, %add3A_655, %broadcast_in_dim3A_650] : memref<16x32x128xf32, #tpu.memory_space<vmem>>[vector<16xi32>, vector<16xi32>, vector<16xi32>], vector<16xf32>,
      %swap3A_657 = arith.constant 7 : i32
      %swap3A_658 = arith.index_cast %swap3A_657 : i32 to index
      %swap3A_659 = arith.constant 0 : index
      %swap3A_660 = tpu.vector_load %arg9[%swap3A_658, %swap3A_659] {strides = array<i32>} : memref<16x32xf32, #tpu.memory_space<vmem>>, vector<16xf32>,
      tpu.vector_store %arg9[%swap3A_658, %swap3A_659], %gather3A_656 {strides = array<i32>} : memref<16x32xf32, #tpu.memory_space<vmem>>, vector<16xf32>,
      %add3A_661 = arith.constant 16 : i32
      %add3A_662 = vector.broadcast %add3A_661 : i32 to vector<16xi32>
      %add3A_663 = arith.addi %iota3A, %add3A_662 : vector<16xi32>
      %gather3A_664 = tpu.vector_load_idx %arg8[%broadcast_in_dim3A_652, %add3A_663, %broadcast_in_dim3A_650] : memref<16x32x128xf32, #tpu.memory_space<vmem>>[vector<16xi32>, vector<16xi32>, vector<16xi32>], vector<16xf32>,
      %swap3A_665 = arith.constant 7 : i32
      %swap3A_666 = arith.index_cast %swap3A_665 : i32 to index
      %swap3A_667 = arith.constant 16 : index
      %swap3A_668 = tpu.vector_load %arg9[%swap3A_666, %swap3A_667] {strides = array<i32>} : memref<16x32xf32, #tpu.memory_space<vmem>>, vector<16xf32>,
      tpu.vector_store %arg9[%swap3A_666, %swap3A_667], %gather3A_664 {strides = array<i32>} : memref<16x32xf32, #tpu.memory_space<vmem>>, vector<16xf32>,
      %add3A_669 = arith.constant 1 : i32
      %add3A_670 = arith.addi %scan3A_371, %add3A_669 : i32
      %lt3A = arith.constant 32 : i32
      %lt3A_671 = arith.cmpi slt, %add3A_670, %lt3A : i32
      %convert_element_type3A = arith.extui %lt3A_671 : i1 to i32
      %cond3A = arith.constant 0 : i32
      %cond3A_672 = arith.cmpi ne, %convert_element_type3A, %cond3A : i32
      scf.if %cond3A_672 {
        %slice3A_985 = vector.extract_strided_slice %get3A_380 {offsets = [0], sizes = [1], strides = [1]} : vector<16xi32> to vector<1xi32>
        %squeeze3A_986 = vector.extract %slice3A_985[0] : i32 from vector<1xi32>
        %slice3A_987 = vector.extract_strided_slice %get3A_382 {offsets = [0], sizes = [1], strides = [1]} : vector<16xi32> to vector<1xi32>
        %squeeze3A_988 = vector.extract %slice3A_987[0] : i32 from vector<1xi32>
        %shift_right_arithmetic3A_989 = arith.constant 7 : i32
        %shift_right_arithmetic3A_990 = arith.shrsi %squeeze3A_988, %shift_right_arithmetic3A_989 : i32
        %shift_left3A_991 = arith.constant 7 : i32
        %shift_left3A_992 = arith.shli %shift_right_arithmetic3A_990, %shift_left3A_991 : i32
        %multiple_of3A_993 = tpu.assume_multiple %shift_left3A_992, 128 : i32
        %mul3A_994 = arith.constant 32 : i32
        %mul3A_995 = arith.muli %squeeze3A_986, %mul3A_994 : i32
        %multiple_of3A_996 = tpu.assume_multiple %mul3A_995, 32 : i32
        %dma_start3A_997 = arith.constant 0 : i32
        %dma_start3A_998 = arith.constant 0 : i32
        %dma_start3A_999 = arith.constant 0 : i32
        %dma_start3A_1000 = tpu.memref_slice %arg8[%dma_start3A_997, %dma_start3A_998, %dma_start3A_999] : memref<16x32x128xf32, #tpu.memory_space<vmem>> -> memref<1x32x128xf32, #tpu.memory_space<vmem>>
        %dma_start3A_1001 = tpu.memref_squeeze %dma_start3A_1000 : memref<1x32x128xf32, #tpu.memory_space<vmem>> -> memref<32x128xf32, #tpu.memory_space<vmem>>
        %dma_start3A_1002 = tpu.memref_slice %arg2[%multiple_of3A_996, %multiple_of3A_993] : memref<832x100000xf32, #tpu.memory_space<hbm>> -> memref<32x128xf32, #tpu.memory_space<hbm>>
        %dma_start3A_1003 = arith.constant 0 : i32
        %dma_start3A_1004 = arith.constant 0 : i32
        %dma_start3A_1005 = tpu.memref_slice %arg8[%dma_start3A_997, %dma_start3A_1003, %dma_start3A_1004] : memref<16x32x128xf32, #tpu.memory_space<vmem>> -> memref<1x32x128xf32, #tpu.memory_space<vmem>>
        %dma_start3A_1006 = tpu.memref_squeeze %dma_start3A_1005 : memref<1x32x128xf32, #tpu.memory_space<vmem>> -> memref<32x128xf32, #tpu.memory_space<vmem>>
        %dma_start3A_1007 = tpu.memref_slice %arg2[%multiple_of3A_996, %multiple_of3A_993] : memref<832x100000xf32, #tpu.memory_space<hbm>> -> memref<32x128xf32, #tpu.memory_space<hbm>>
        tpu.enqueue_dma source(%dma_start3A_1007 : memref<32x128xf32, #tpu.memory_space<hbm>>) target(%dma_start3A_1006 : memref<32x128xf32, #tpu.memory_space<vmem>>) target_semaphore(%arg10 : memref<!tpu.dma_semaphore, #tpu.memory_space<semaphore_mem>>)
        %slice3A_1008 = vector.extract_strided_slice %get3A_380 {offsets = [1], sizes = [1], strides = [1]} : vector<16xi32> to vector<1xi32>
        %squeeze3A_1009 = vector.extract %slice3A_1008[0] : i32 from vector<1xi32>
        %slice3A_1010 = vector.extract_strided_slice %get3A_382 {offsets = [1], sizes = [1], strides = [1]} : vector<16xi32> to vector<1xi32>
        %squeeze3A_1011 = vector.extract %slice3A_1010[0] : i32 from vector<1xi32>
        %shift_right_arithmetic3A_1012 = arith.constant 7 : i32
        %shift_right_arithmetic3A_1013 = arith.shrsi %squeeze3A_1011, %shift_right_arithmetic3A_1012 : i32
        %shift_left3A_1014 = arith.constant 7 : i32
        %shift_left3A_1015 = arith.shli %shift_right_arithmetic3A_1013, %shift_left3A_1014 : i32
        %multiple_of3A_1016 = tpu.assume_multiple %shift_left3A_1015, 128 : i32
        %mul3A_1017 = arith.constant 32 : i32
        %mul3A_1018 = arith.muli %squeeze3A_1009, %mul3A_1017 : i32
        %multiple_of3A_1019 = tpu.assume_multiple %mul3A_1018, 32 : i32
        %dma_start3A_1020 = arith.constant 1 : i32
        %dma_start3A_1021 = arith.constant 0 : i32
        %dma_start3A_1022 = arith.constant 0 : i32
        %dma_start3A_1023 = tpu.memref_slice %arg8[%dma_start3A_1020, %dma_start3A_1021, %dma_start3A_1022] : memref<16x32x128xf32, #tpu.memory_space<vmem>> -> memref<1x32x128xf32, #tpu.memory_space<vmem>>
        %dma_start3A_1024 = tpu.memref_squeeze %dma_start3A_1023 : memref<1x32x128xf32, #tpu.memory_space<vmem>> -> memref<32x128xf32, #tpu.memory_space<vmem>>
        %dma_start3A_1025 = tpu.memref_slice %arg2[%multiple_of3A_1019, %multiple_of3A_1016] : memref<832x100000xf32, #tpu.memory_space<hbm>> -> memref<32x128xf32, #tpu.memory_space<hbm>>
        %dma_start3A_1026 = arith.constant 0 : i32
        %dma_start3A_1027 = arith.constant 0 : i32
        %dma_start3A_1028 = tpu.memref_slice %arg8[%dma_start3A_1020, %dma_start3A_1026, %dma_start3A_1027] : memref<16x32x128xf32, #tpu.memory_space<vmem>> -> memref<1x32x128xf32, #tpu.memory_space<vmem>>
        %dma_start3A_1029 = tpu.memref_squeeze %dma_start3A_1028 : memref<1x32x128xf32, #tpu.memory_space<vmem>> -> memref<32x128xf32, #tpu.memory_space<vmem>>
        %dma_start3A_1030 = tpu.memref_slice %arg2[%multiple_of3A_1019, %multiple_of3A_1016] : memref<832x100000xf32, #tpu.memory_space<hbm>> -> memref<32x128xf32, #tpu.memory_space<hbm>>
        tpu.enqueue_dma source(%dma_start3A_1030 : memref<32x128xf32, #tpu.memory_space<hbm>>) target(%dma_start3A_1029 : memref<32x128xf32, #tpu.memory_space<vmem>>) target_semaphore(%arg10 : memref<!tpu.dma_semaphore, #tpu.memory_space<semaphore_mem>>)
        %slice3A_1031 = vector.extract_strided_slice %get3A_380 {offsets = [2], sizes = [1], strides = [1]} : vector<16xi32> to vector<1xi32>
        %squeeze3A_1032 = vector.extract %slice3A_1031[0] : i32 from vector<1xi32>
        %slice3A_1033 = vector.extract_strided_slice %get3A_382 {offsets = [2], sizes = [1], strides = [1]} : vector<16xi32> to vector<1xi32>
        %squeeze3A_1034 = vector.extract %slice3A_1033[0] : i32 from vector<1xi32>
        %shift_right_arithmetic3A_1035 = arith.constant 7 : i32
        %shift_right_arithmetic3A_1036 = arith.shrsi %squeeze3A_1034, %shift_right_arithmetic3A_1035 : i32
        %shift_left3A_1037 = arith.constant 7 : i32
        %shift_left3A_1038 = arith.shli %shift_right_arithmetic3A_1036, %shift_left3A_1037 : i32
        %multiple_of3A_1039 = tpu.assume_multiple %shift_left3A_1038, 128 : i32
        %mul3A_1040 = arith.constant 32 : i32
        %mul3A_1041 = arith.muli %squeeze3A_1032, %mul3A_1040 : i32
        %multiple_of3A_1042 = tpu.assume_multiple %mul3A_1041, 32 : i32
        %dma_start3A_1043 = arith.constant 2 : i32
        %dma_start3A_1044 = arith.constant 0 : i32
        %dma_start3A_1045 = arith.constant 0 : i32
        %dma_start3A_1046 = tpu.memref_slice %arg8[%dma_start3A_1043, %dma_start3A_1044, %dma_start3A_1045] : memref<16x32x128xf32, #tpu.memory_space<vmem>> -> memref<1x32x128xf32, #tpu.memory_space<vmem>>
        %dma_start3A_1047 = tpu.memref_squeeze %dma_start3A_1046 : memref<1x32x128xf32, #tpu.memory_space<vmem>> -> memref<32x128xf32, #tpu.memory_space<vmem>>
        %dma_start3A_1048 = tpu.memref_slice %arg2[%multiple_of3A_1042, %multiple_of3A_1039] : memref<832x100000xf32, #tpu.memory_space<hbm>> -> memref<32x128xf32, #tpu.memory_space<hbm>>
        %dma_start3A_1049 = arith.constant 0 : i32
        %dma_start3A_1050 = arith.constant 0 : i32
        %dma_start3A_1051 = tpu.memref_slice %arg8[%dma_start3A_1043, %dma_start3A_1049, %dma_start3A_1050] : memref<16x32x128xf32, #tpu.memory_space<vmem>> -> memref<1x32x128xf32, #tpu.memory_space<vmem>>
        %dma_start3A_1052 = tpu.memref_squeeze %dma_start3A_1051 : memref<1x32x128xf32, #tpu.memory_space<vmem>> -> memref<32x128xf32, #tpu.memory_space<vmem>>
        %dma_start3A_1053 = tpu.memref_slice %arg2[%multiple_of3A_1042, %multiple_of3A_1039] : memref<832x100000xf32, #tpu.memory_space<hbm>> -> memref<32x128xf32, #tpu.memory_space<hbm>>
        tpu.enqueue_dma source(%dma_start3A_1053 : memref<32x128xf32, #tpu.memory_space<hbm>>) target(%dma_start3A_1052 : memref<32x128xf32, #tpu.memory_space<vmem>>) target_semaphore(%arg10 : memref<!tpu.dma_semaphore, #tpu.memory_space<semaphore_mem>>)
        %slice3A_1054 = vector.extract_strided_slice %get3A_380 {offsets = [3], sizes = [1], strides = [1]} : vector<16xi32> to vector<1xi32>
        %squeeze3A_1055 = vector.extract %slice3A_1054[0] : i32 from vector<1xi32>
        %slice3A_1056 = vector.extract_strided_slice %get3A_382 {offsets = [3], sizes = [1], strides = [1]} : vector<16xi32> to vector<1xi32>
        %squeeze3A_1057 = vector.extract %slice3A_1056[0] : i32 from vector<1xi32>
        %shift_right_arithmetic3A_1058 = arith.constant 7 : i32
        %shift_right_arithmetic3A_1059 = arith.shrsi %squeeze3A_1057, %shift_right_arithmetic3A_1058 : i32
        %shift_left3A_1060 = arith.constant 7 : i32
        %shift_left3A_1061 = arith.shli %shift_right_arithmetic3A_1059, %shift_left3A_1060 : i32
        %multiple_of3A_1062 = tpu.assume_multiple %shift_left3A_1061, 128 : i32
        %mul3A_1063 = arith.constant 32 : i32
        %mul3A_1064 = arith.muli %squeeze3A_1055, %mul3A_1063 : i32
        %multiple_of3A_1065 = tpu.assume_multiple %mul3A_1064, 32 : i32
        %dma_start3A_1066 = arith.constant 3 : i32
        %dma_start3A_1067 = arith.constant 0 : i32
        %dma_start3A_1068 = arith.constant 0 : i32
        %dma_start3A_1069 = tpu.memref_slice %arg8[%dma_start3A_1066, %dma_start3A_1067, %dma_start3A_1068] : memref<16x32x128xf32, #tpu.memory_space<vmem>> -> memref<1x32x128xf32, #tpu.memory_space<vmem>>
        %dma_start3A_1070 = tpu.memref_squeeze %dma_start3A_1069 : memref<1x32x128xf32, #tpu.memory_space<vmem>> -> memref<32x128xf32, #tpu.memory_space<vmem>>
        %dma_start3A_1071 = tpu.memref_slice %arg2[%multiple_of3A_1065, %multiple_of3A_1062] : memref<832x100000xf32, #tpu.memory_space<hbm>> -> memref<32x128xf32, #tpu.memory_space<hbm>>
        %dma_start3A_1072 = arith.constant 0 : i32
        %dma_start3A_1073 = arith.constant 0 : i32
        %dma_start3A_1074 = tpu.memref_slice %arg8[%dma_start3A_1066, %dma_start3A_1072, %dma_start3A_1073] : memref<16x32x128xf32, #tpu.memory_space<vmem>> -> memref<1x32x128xf32, #tpu.memory_space<vmem>>
        %dma_start3A_1075 = tpu.memref_squeeze %dma_start3A_1074 : memref<1x32x128xf32, #tpu.memory_space<vmem>> -> memref<32x128xf32, #tpu.memory_space<vmem>>
        %dma_start3A_1076 = tpu.memref_slice %arg2[%multiple_of3A_1065, %multiple_of3A_1062] : memref<832x100000xf32, #tpu.memory_space<hbm>> -> memref<32x128xf32, #tpu.memory_space<hbm>>
        tpu.enqueue_dma source(%dma_start3A_1076 : memref<32x128xf32, #tpu.memory_space<hbm>>) target(%dma_start3A_1075 : memref<32x128xf32, #tpu.memory_space<vmem>>) target_semaphore(%arg10 : memref<!tpu.dma_semaphore, #tpu.memory_space<semaphore_mem>>)
        %slice3A_1077 = vector.extract_strided_slice %get3A_380 {offsets = [4], sizes = [1], strides = [1]} : vector<16xi32> to vector<1xi32>
        %squeeze3A_1078 = vector.extract %slice3A_1077[0] : i32 from vector<1xi32>
        %slice3A_1079 = vector.extract_strided_slice %get3A_382 {offsets = [4], sizes = [1], strides = [1]} : vector<16xi32> to vector<1xi32>
        %squeeze3A_1080 = vector.extract %slice3A_1079[0] : i32 from vector<1xi32>
        %shift_right_arithmetic3A_1081 = arith.constant 7 : i32
        %shift_right_arithmetic3A_1082 = arith.shrsi %squeeze3A_1080, %shift_right_arithmetic3A_1081 : i32
        %shift_left3A_1083 = arith.constant 7 : i32
        %shift_left3A_1084 = arith.shli %shift_right_arithmetic3A_1082, %shift_left3A_1083 : i32
        %multiple_of3A_1085 = tpu.assume_multiple %shift_left3A_1084, 128 : i32
        %mul3A_1086 = arith.constant 32 : i32
        %mul3A_1087 = arith.muli %squeeze3A_1078, %mul3A_1086 : i32
        %multiple_of3A_1088 = tpu.assume_multiple %mul3A_1087, 32 : i32
        %dma_start3A_1089 = arith.constant 4 : i32
        %dma_start3A_1090 = arith.constant 0 : i32
        %dma_start3A_1091 = arith.constant 0 : i32
        %dma_start3A_1092 = tpu.memref_slice %arg8[%dma_start3A_1089, %dma_start3A_1090, %dma_start3A_1091] : memref<16x32x128xf32, #tpu.memory_space<vmem>> -> memref<1x32x128xf32, #tpu.memory_space<vmem>>
        %dma_start3A_1093 = tpu.memref_squeeze %dma_start3A_1092 : memref<1x32x128xf32, #tpu.memory_space<vmem>> -> memref<32x128xf32, #tpu.memory_space<vmem>>
        %dma_start3A_1094 = tpu.memref_slice %arg2[%multiple_of3A_1088, %multiple_of3A_1085] : memref<832x100000xf32, #tpu.memory_space<hbm>> -> memref<32x128xf32, #tpu.memory_space<hbm>>
        %dma_start3A_1095 = arith.constant 0 : i32
        %dma_start3A_1096 = arith.constant 0 : i32
        %dma_start3A_1097 = tpu.memref_slice %arg8[%dma_start3A_1089, %dma_start3A_1095, %dma_start3A_1096] : memref<16x32x128xf32, #tpu.memory_space<vmem>> -> memref<1x32x128xf32, #tpu.memory_space<vmem>>
        %dma_start3A_1098 = tpu.memref_squeeze %dma_start3A_1097 : memref<1x32x128xf32, #tpu.memory_space<vmem>> -> memref<32x128xf32, #tpu.memory_space<vmem>>
        %dma_start3A_1099 = tpu.memref_slice %arg2[%multiple_of3A_1088, %multiple_of3A_1085] : memref<832x100000xf32, #tpu.memory_space<hbm>> -> memref<32x128xf32, #tpu.memory_space<hbm>>
        tpu.enqueue_dma source(%dma_start3A_1099 : memref<32x128xf32, #tpu.memory_space<hbm>>) target(%dma_start3A_1098 : memref<32x128xf32, #tpu.memory_space<vmem>>) target_semaphore(%arg10 : memref<!tpu.dma_semaphore, #tpu.memory_space<semaphore_mem>>)
        %slice3A_1100 = vector.extract_strided_slice %get3A_380 {offsets = [5], sizes = [1], strides = [1]} : vector<16xi32> to vector<1xi32>
        %squeeze3A_1101 = vector.extract %slice3A_1100[0] : i32 from vector<1xi32>
        %slice3A_1102 = vector.extract_strided_slice %get3A_382 {offsets = [5], sizes = [1], strides = [1]} : vector<16xi32> to vector<1xi32>
        %squeeze3A_1103 = vector.extract %slice3A_1102[0] : i32 from vector<1xi32>
        %shift_right_arithmetic3A_1104 = arith.constant 7 : i32
        %shift_right_arithmetic3A_1105 = arith.shrsi %squeeze3A_1103, %shift_right_arithmetic3A_1104 : i32
        %shift_left3A_1106 = arith.constant 7 : i32
        %shift_left3A_1107 = arith.shli %shift_right_arithmetic3A_1105, %shift_left3A_1106 : i32
        %multiple_of3A_1108 = tpu.assume_multiple %shift_left3A_1107, 128 : i32
        %mul3A_1109 = arith.constant 32 : i32
        %mul3A_1110 = arith.muli %squeeze3A_1101, %mul3A_1109 : i32
        %multiple_of3A_1111 = tpu.assume_multiple %mul3A_1110, 32 : i32
        %dma_start3A_1112 = arith.constant 5 : i32
        %dma_start3A_1113 = arith.constant 0 : i32
        %dma_start3A_1114 = arith.constant 0 : i32
        %dma_start3A_1115 = tpu.memref_slice %arg8[%dma_start3A_1112, %dma_start3A_1113, %dma_start3A_1114] : memref<16x32x128xf32, #tpu.memory_space<vmem>> -> memref<1x32x128xf32, #tpu.memory_space<vmem>>
        %dma_start3A_1116 = tpu.memref_squeeze %dma_start3A_1115 : memref<1x32x128xf32, #tpu.memory_space<vmem>> -> memref<32x128xf32, #tpu.memory_space<vmem>>
        %dma_start3A_1117 = tpu.memref_slice %arg2[%multiple_of3A_1111, %multiple_of3A_1108] : memref<832x100000xf32, #tpu.memory_space<hbm>> -> memref<32x128xf32, #tpu.memory_space<hbm>>
        %dma_start3A_1118 = arith.constant 0 : i32
        %dma_start3A_1119 = arith.constant 0 : i32
        %dma_start3A_1120 = tpu.memref_slice %arg8[%dma_start3A_1112, %dma_start3A_1118, %dma_start3A_1119] : memref<16x32x128xf32, #tpu.memory_space<vmem>> -> memref<1x32x128xf32, #tpu.memory_space<vmem>>
        %dma_start3A_1121 = tpu.memref_squeeze %dma_start3A_1120 : memref<1x32x128xf32, #tpu.memory_space<vmem>> -> memref<32x128xf32, #tpu.memory_space<vmem>>
        %dma_start3A_1122 = tpu.memref_slice %arg2[%multiple_of3A_1111, %multiple_of3A_1108] : memref<832x100000xf32, #tpu.memory_space<hbm>> -> memref<32x128xf32, #tpu.memory_space<hbm>>
        tpu.enqueue_dma source(%dma_start3A_1122 : memref<32x128xf32, #tpu.memory_space<hbm>>) target(%dma_start3A_1121 : memref<32x128xf32, #tpu.memory_space<vmem>>) target_semaphore(%arg10 : memref<!tpu.dma_semaphore, #tpu.memory_space<semaphore_mem>>)
        %slice3A_1123 = vector.extract_strided_slice %get3A_380 {offsets = [6], sizes = [1], strides = [1]} : vector<16xi32> to vector<1xi32>
        %squeeze3A_1124 = vector.extract %slice3A_1123[0] : i32 from vector<1xi32>
        %slice3A_1125 = vector.extract_strided_slice %get3A_382 {offsets = [6], sizes = [1], strides = [1]} : vector<16xi32> to vector<1xi32>
        %squeeze3A_1126 = vector.extract %slice3A_1125[0] : i32 from vector<1xi32>
        %shift_right_arithmetic3A_1127 = arith.constant 7 : i32
        %shift_right_arithmetic3A_1128 = arith.shrsi %squeeze3A_1126, %shift_right_arithmetic3A_1127 : i32
        %shift_left3A_1129 = arith.constant 7 : i32
        %shift_left3A_1130 = arith.shli %shift_right_arithmetic3A_1128, %shift_left3A_1129 : i32
        %multiple_of3A_1131 = tpu.assume_multiple %shift_left3A_1130, 128 : i32
        %mul3A_1132 = arith.constant 32 : i32
        %mul3A_1133 = arith.muli %squeeze3A_1124, %mul3A_1132 : i32
        %multiple_of3A_1134 = tpu.assume_multiple %mul3A_1133, 32 : i32
        %dma_start3A_1135 = arith.constant 6 : i32
        %dma_start3A_1136 = arith.constant 0 : i32
        %dma_start3A_1137 = arith.constant 0 : i32
        %dma_start3A_1138 = tpu.memref_slice %arg8[%dma_start3A_1135, %dma_start3A_1136, %dma_start3A_1137] : memref<16x32x128xf32, #tpu.memory_space<vmem>> -> memref<1x32x128xf32, #tpu.memory_space<vmem>>
        %dma_start3A_1139 = tpu.memref_squeeze %dma_start3A_1138 : memref<1x32x128xf32, #tpu.memory_space<vmem>> -> memref<32x128xf32, #tpu.memory_space<vmem>>
        %dma_start3A_1140 = tpu.memref_slice %arg2[%multiple_of3A_1134, %multiple_of3A_1131] : memref<832x100000xf32, #tpu.memory_space<hbm>> -> memref<32x128xf32, #tpu.memory_space<hbm>>
        %dma_start3A_1141 = arith.constant 0 : i32
        %dma_start3A_1142 = arith.constant 0 : i32
        %dma_start3A_1143 = tpu.memref_slice %arg8[%dma_start3A_1135, %dma_start3A_1141, %dma_start3A_1142] : memref<16x32x128xf32, #tpu.memory_space<vmem>> -> memref<1x32x128xf32, #tpu.memory_space<vmem>>
        %dma_start3A_1144 = tpu.memref_squeeze %dma_start3A_1143 : memref<1x32x128xf32, #tpu.memory_space<vmem>> -> memref<32x128xf32, #tpu.memory_space<vmem>>
        %dma_start3A_1145 = tpu.memref_slice %arg2[%multiple_of3A_1134, %multiple_of3A_1131] : memref<832x100000xf32, #tpu.memory_space<hbm>> -> memref<32x128xf32, #tpu.memory_space<hbm>>
        tpu.enqueue_dma source(%dma_start3A_1145 : memref<32x128xf32, #tpu.memory_space<hbm>>) target(%dma_start3A_1144 : memref<32x128xf32, #tpu.memory_space<vmem>>) target_semaphore(%arg10 : memref<!tpu.dma_semaphore, #tpu.memory_space<semaphore_mem>>)
        %slice3A_1146 = vector.extract_strided_slice %get3A_380 {offsets = [7], sizes = [1], strides = [1]} : vector<16xi32> to vector<1xi32>
        %squeeze3A_1147 = vector.extract %slice3A_1146[0] : i32 from vector<1xi32>
        %slice3A_1148 = vector.extract_strided_slice %get3A_382 {offsets = [7], sizes = [1], strides = [1]} : vector<16xi32> to vector<1xi32>
        %squeeze3A_1149 = vector.extract %slice3A_1148[0] : i32 from vector<1xi32>
        %shift_right_arithmetic3A_1150 = arith.constant 7 : i32
        %shift_right_arithmetic3A_1151 = arith.shrsi %squeeze3A_1149, %shift_right_arithmetic3A_1150 : i32
        %shift_left3A_1152 = arith.constant 7 : i32
        %shift_left3A_1153 = arith.shli %shift_right_arithmetic3A_1151, %shift_left3A_1152 : i32
        %multiple_of3A_1154 = tpu.assume_multiple %shift_left3A_1153, 128 : i32
        %mul3A_1155 = arith.constant 32 : i32
        %mul3A_1156 = arith.muli %squeeze3A_1147, %mul3A_1155 : i32
        %multiple_of3A_1157 = tpu.assume_multiple %mul3A_1156, 32 : i32
        %dma_start3A_1158 = arith.constant 7 : i32
        %dma_start3A_1159 = arith.constant 0 : i32
        %dma_start3A_1160 = arith.constant 0 : i32
        %dma_start3A_1161 = tpu.memref_slice %arg8[%dma_start3A_1158, %dma_start3A_1159, %dma_start3A_1160] : memref<16x32x128xf32, #tpu.memory_space<vmem>> -> memref<1x32x128xf32, #tpu.memory_space<vmem>>
        %dma_start3A_1162 = tpu.memref_squeeze %dma_start3A_1161 : memref<1x32x128xf32, #tpu.memory_space<vmem>> -> memref<32x128xf32, #tpu.memory_space<vmem>>
        %dma_start3A_1163 = tpu.memref_slice %arg2[%multiple_of3A_1157, %multiple_of3A_1154] : memref<832x100000xf32, #tpu.memory_space<hbm>> -> memref<32x128xf32, #tpu.memory_space<hbm>>
        %dma_start3A_1164 = arith.constant 0 : i32
        %dma_start3A_1165 = arith.constant 0 : i32
        %dma_start3A_1166 = tpu.memref_slice %arg8[%dma_start3A_1158, %dma_start3A_1164, %dma_start3A_1165] : memref<16x32x128xf32, #tpu.memory_space<vmem>> -> memref<1x32x128xf32, #tpu.memory_space<vmem>>
        %dma_start3A_1167 = tpu.memref_squeeze %dma_start3A_1166 : memref<1x32x128xf32, #tpu.memory_space<vmem>> -> memref<32x128xf32, #tpu.memory_space<vmem>>
        %dma_start3A_1168 = tpu.memref_slice %arg2[%multiple_of3A_1157, %multiple_of3A_1154] : memref<832x100000xf32, #tpu.memory_space<hbm>> -> memref<32x128xf32, #tpu.memory_space<hbm>>
        tpu.enqueue_dma source(%dma_start3A_1168 : memref<32x128xf32, #tpu.memory_space<hbm>>) target(%dma_start3A_1167 : memref<32x128xf32, #tpu.memory_space<vmem>>) target_semaphore(%arg10 : memref<!tpu.dma_semaphore, #tpu.memory_space<semaphore_mem>>)
      } else {
      }
      %dma_wait3A_673 = arith.constant 8 : i32
      %dma_wait3A_674 = arith.constant 0 : i32
      %dma_wait3A_675 = arith.constant 0 : i32
      %dma_wait3A_676 = tpu.memref_slice %arg8[%dma_wait3A_673, %dma_wait3A_674, %dma_wait3A_675] : memref<16x32x128xf32, #tpu.memory_space<vmem>> -> memref<1x32x128xf32, #tpu.memory_space<vmem>>
      %dma_wait3A_677 = tpu.memref_squeeze %dma_wait3A_676 : memref<1x32x128xf32, #tpu.memory_space<vmem>> -> memref<32x128xf32, #tpu.memory_space<vmem>>
      %dma_wait3A_678 = arith.constant 0 : i32
      %dma_wait3A_679 = arith.constant 0 : i32
      %dma_wait3A_680 = tpu.memref_slice %arg2[%dma_wait3A_678, %dma_wait3A_679] : memref<832x100000xf32, #tpu.memory_space<hbm>> -> memref<32x128xf32, #tpu.memory_space<hbm>>
      %dma_wait3A_681 = arith.constant 0 : i32
      %dma_wait3A_682 = arith.constant 0 : i32
      %dma_wait3A_683 = tpu.memref_slice %arg8[%dma_wait3A_673, %dma_wait3A_681, %dma_wait3A_682] : memref<16x32x128xf32, #tpu.memory_space<vmem>> -> memref<1x32x128xf32, #tpu.memory_space<vmem>>
      %dma_wait3A_684 = tpu.memref_squeeze %dma_wait3A_683 : memref<1x32x128xf32, #tpu.memory_space<vmem>> -> memref<32x128xf32, #tpu.memory_space<vmem>>
      %dma_wait3A_685 = arith.constant 0 : i32
      %dma_wait3A_686 = arith.constant 0 : i32
      %dma_wait3A_687 = tpu.memref_slice %arg2[%dma_wait3A_685, %dma_wait3A_686] : memref<832x100000xf32, #tpu.memory_space<hbm>> -> memref<32x128xf32, #tpu.memory_space<hbm>>
      tpu.wait_dma2 semaphore(%arg11 : memref<!tpu.dma_semaphore, #tpu.memory_space<semaphore_mem>>) src(%dma_wait3A_687 : memref<32x128xf32, #tpu.memory_space<hbm>>) dst(%dma_wait3A_684 : memref<32x128xf32, #tpu.memory_space<vmem>>)
      %dma_wait3A_688 = arith.constant 9 : i32
      %dma_wait3A_689 = arith.constant 0 : i32
      %dma_wait3A_690 = arith.constant 0 : i32
      %dma_wait3A_691 = tpu.memref_slice %arg8[%dma_wait3A_688, %dma_wait3A_689, %dma_wait3A_690] : memref<16x32x128xf32, #tpu.memory_space<vmem>> -> memref<1x32x128xf32, #tpu.memory_space<vmem>>
      %dma_wait3A_692 = tpu.memref_squeeze %dma_wait3A_691 : memref<1x32x128xf32, #tpu.memory_space<vmem>> -> memref<32x128xf32, #tpu.memory_space<vmem>>
      %dma_wait3A_693 = arith.constant 0 : i32
      %dma_wait3A_694 = arith.constant 0 : i32
      %dma_wait3A_695 = tpu.memref_slice %arg2[%dma_wait3A_693, %dma_wait3A_694] : memref<832x100000xf32, #tpu.memory_space<hbm>> -> memref<32x128xf32, #tpu.memory_space<hbm>>
      %dma_wait3A_696 = arith.constant 0 : i32
      %dma_wait3A_697 = arith.constant 0 : i32
      %dma_wait3A_698 = tpu.memref_slice %arg8[%dma_wait3A_688, %dma_wait3A_696, %dma_wait3A_697] : memref<16x32x128xf32, #tpu.memory_space<vmem>> -> memref<1x32x128xf32, #tpu.memory_space<vmem>>
      %dma_wait3A_699 = tpu.memref_squeeze %dma_wait3A_698 : memref<1x32x128xf32, #tpu.memory_space<vmem>> -> memref<32x128xf32, #tpu.memory_space<vmem>>
      %dma_wait3A_700 = arith.constant 0 : i32
      %dma_wait3A_701 = arith.constant 0 : i32
      %dma_wait3A_702 = tpu.memref_slice %arg2[%dma_wait3A_700, %dma_wait3A_701] : memref<832x100000xf32, #tpu.memory_space<hbm>> -> memref<32x128xf32, #tpu.memory_space<hbm>>
      tpu.wait_dma2 semaphore(%arg11 : memref<!tpu.dma_semaphore, #tpu.memory_space<semaphore_mem>>) src(%dma_wait3A_702 : memref<32x128xf32, #tpu.memory_space<hbm>>) dst(%dma_wait3A_699 : memref<32x128xf32, #tpu.memory_space<vmem>>)
      %dma_wait3A_703 = arith.constant 10 : i32
      %dma_wait3A_704 = arith.constant 0 : i32
      %dma_wait3A_705 = arith.constant 0 : i32
      %dma_wait3A_706 = tpu.memref_slice %arg8[%dma_wait3A_703, %dma_wait3A_704, %dma_wait3A_705] : memref<16x32x128xf32, #tpu.memory_space<vmem>> -> memref<1x32x128xf32, #tpu.memory_space<vmem>>
      %dma_wait3A_707 = tpu.memref_squeeze %dma_wait3A_706 : memref<1x32x128xf32, #tpu.memory_space<vmem>> -> memref<32x128xf32, #tpu.memory_space<vmem>>
      %dma_wait3A_708 = arith.constant 0 : i32
      %dma_wait3A_709 = arith.constant 0 : i32
      %dma_wait3A_710 = tpu.memref_slice %arg2[%dma_wait3A_708, %dma_wait3A_709] : memref<832x100000xf32, #tpu.memory_space<hbm>> -> memref<32x128xf32, #tpu.memory_space<hbm>>
      %dma_wait3A_711 = arith.constant 0 : i32
      %dma_wait3A_712 = arith.constant 0 : i32
      %dma_wait3A_713 = tpu.memref_slice %arg8[%dma_wait3A_703, %dma_wait3A_711, %dma_wait3A_712] : memref<16x32x128xf32, #tpu.memory_space<vmem>> -> memref<1x32x128xf32, #tpu.memory_space<vmem>>
      %dma_wait3A_714 = tpu.memref_squeeze %dma_wait3A_713 : memref<1x32x128xf32, #tpu.memory_space<vmem>> -> memref<32x128xf32, #tpu.memory_space<vmem>>
      %dma_wait3A_715 = arith.constant 0 : i32
      %dma_wait3A_716 = arith.constant 0 : i32
      %dma_wait3A_717 = tpu.memref_slice %arg2[%dma_wait3A_715, %dma_wait3A_716] : memref<832x100000xf32, #tpu.memory_space<hbm>> -> memref<32x128xf32, #tpu.memory_space<hbm>>
      tpu.wait_dma2 semaphore(%arg11 : memref<!tpu.dma_semaphore, #tpu.memory_space<semaphore_mem>>) src(%dma_wait3A_717 : memref<32x128xf32, #tpu.memory_space<hbm>>) dst(%dma_wait3A_714 : memref<32x128xf32, #tpu.memory_space<vmem>>)
      %dma_wait3A_718 = arith.constant 11 : i32
      %dma_wait3A_719 = arith.constant 0 : i32
      %dma_wait3A_720 = arith.constant 0 : i32
      %dma_wait3A_721 = tpu.memref_slice %arg8[%dma_wait3A_718, %dma_wait3A_719, %dma_wait3A_720] : memref<16x32x128xf32, #tpu.memory_space<vmem>> -> memref<1x32x128xf32, #tpu.memory_space<vmem>>
      %dma_wait3A_722 = tpu.memref_squeeze %dma_wait3A_721 : memref<1x32x128xf32, #tpu.memory_space<vmem>> -> memref<32x128xf32, #tpu.memory_space<vmem>>
      %dma_wait3A_723 = arith.constant 0 : i32
      %dma_wait3A_724 = arith.constant 0 : i32
      %dma_wait3A_725 = tpu.memref_slice %arg2[%dma_wait3A_723, %dma_wait3A_724] : memref<832x100000xf32, #tpu.memory_space<hbm>> -> memref<32x128xf32, #tpu.memory_space<hbm>>
      %dma_wait3A_726 = arith.constant 0 : i32
      %dma_wait3A_727 = arith.constant 0 : i32
      %dma_wait3A_728 = tpu.memref_slice %arg8[%dma_wait3A_718, %dma_wait3A_726, %dma_wait3A_727] : memref<16x32x128xf32, #tpu.memory_space<vmem>> -> memref<1x32x128xf32, #tpu.memory_space<vmem>>
      %dma_wait3A_729 = tpu.memref_squeeze %dma_wait3A_728 : memref<1x32x128xf32, #tpu.memory_space<vmem>> -> memref<32x128xf32, #tpu.memory_space<vmem>>
      %dma_wait3A_730 = arith.constant 0 : i32
      %dma_wait3A_731 = arith.constant 0 : i32
      %dma_wait3A_732 = tpu.memref_slice %arg2[%dma_wait3A_730, %dma_wait3A_731] : memref<832x100000xf32, #tpu.memory_space<hbm>> -> memref<32x128xf32, #tpu.memory_space<hbm>>
      tpu.wait_dma2 semaphore(%arg11 : memref<!tpu.dma_semaphore, #tpu.memory_space<semaphore_mem>>) src(%dma_wait3A_732 : memref<32x128xf32, #tpu.memory_space<hbm>>) dst(%dma_wait3A_729 : memref<32x128xf32, #tpu.memory_space<vmem>>)
      %dma_wait3A_733 = arith.constant 12 : i32
      %dma_wait3A_734 = arith.constant 0 : i32
      %dma_wait3A_735 = arith.constant 0 : i32
      %dma_wait3A_736 = tpu.memref_slice %arg8[%dma_wait3A_733, %dma_wait3A_734, %dma_wait3A_735] : memref<16x32x128xf32, #tpu.memory_space<vmem>> -> memref<1x32x128xf32, #tpu.memory_space<vmem>>
      %dma_wait3A_737 = tpu.memref_squeeze %dma_wait3A_736 : memref<1x32x128xf32, #tpu.memory_space<vmem>> -> memref<32x128xf32, #tpu.memory_space<vmem>>
      %dma_wait3A_738 = arith.constant 0 : i32
      %dma_wait3A_739 = arith.constant 0 : i32
      %dma_wait3A_740 = tpu.memref_slice %arg2[%dma_wait3A_738, %dma_wait3A_739] : memref<832x100000xf32, #tpu.memory_space<hbm>> -> memref<32x128xf32, #tpu.memory_space<hbm>>
      %dma_wait3A_741 = arith.constant 0 : i32
      %dma_wait3A_742 = arith.constant 0 : i32
      %dma_wait3A_743 = tpu.memref_slice %arg8[%dma_wait3A_733, %dma_wait3A_741, %dma_wait3A_742] : memref<16x32x128xf32, #tpu.memory_space<vmem>> -> memref<1x32x128xf32, #tpu.memory_space<vmem>>
      %dma_wait3A_744 = tpu.memref_squeeze %dma_wait3A_743 : memref<1x32x128xf32, #tpu.memory_space<vmem>> -> memref<32x128xf32, #tpu.memory_space<vmem>>
      %dma_wait3A_745 = arith.constant 0 : i32
      %dma_wait3A_746 = arith.constant 0 : i32
      %dma_wait3A_747 = tpu.memref_slice %arg2[%dma_wait3A_745, %dma_wait3A_746] : memref<832x100000xf32, #tpu.memory_space<hbm>> -> memref<32x128xf32, #tpu.memory_space<hbm>>
      tpu.wait_dma2 semaphore(%arg11 : memref<!tpu.dma_semaphore, #tpu.memory_space<semaphore_mem>>) src(%dma_wait3A_747 : memref<32x128xf32, #tpu.memory_space<hbm>>) dst(%dma_wait3A_744 : memref<32x128xf32, #tpu.memory_space<vmem>>)
      %dma_wait3A_748 = arith.constant 13 : i32
      %dma_wait3A_749 = arith.constant 0 : i32
      %dma_wait3A_750 = arith.constant 0 : i32
      %dma_wait3A_751 = tpu.memref_slice %arg8[%dma_wait3A_748, %dma_wait3A_749, %dma_wait3A_750] : memref<16x32x128xf32, #tpu.memory_space<vmem>> -> memref<1x32x128xf32, #tpu.memory_space<vmem>>
      %dma_wait3A_752 = tpu.memref_squeeze %dma_wait3A_751 : memref<1x32x128xf32, #tpu.memory_space<vmem>> -> memref<32x128xf32, #tpu.memory_space<vmem>>
      %dma_wait3A_753 = arith.constant 0 : i32
      %dma_wait3A_754 = arith.constant 0 : i32
      %dma_wait3A_755 = tpu.memref_slice %arg2[%dma_wait3A_753, %dma_wait3A_754] : memref<832x100000xf32, #tpu.memory_space<hbm>> -> memref<32x128xf32, #tpu.memory_space<hbm>>
      %dma_wait3A_756 = arith.constant 0 : i32
      %dma_wait3A_757 = arith.constant 0 : i32
      %dma_wait3A_758 = tpu.memref_slice %arg8[%dma_wait3A_748, %dma_wait3A_756, %dma_wait3A_757] : memref<16x32x128xf32, #tpu.memory_space<vmem>> -> memref<1x32x128xf32, #tpu.memory_space<vmem>>
      %dma_wait3A_759 = tpu.memref_squeeze %dma_wait3A_758 : memref<1x32x128xf32, #tpu.memory_space<vmem>> -> memref<32x128xf32, #tpu.memory_space<vmem>>
      %dma_wait3A_760 = arith.constant 0 : i32
      %dma_wait3A_761 = arith.constant 0 : i32
      %dma_wait3A_762 = tpu.memref_slice %arg2[%dma_wait3A_760, %dma_wait3A_761] : memref<832x100000xf32, #tpu.memory_space<hbm>> -> memref<32x128xf32, #tpu.memory_space<hbm>>
      tpu.wait_dma2 semaphore(%arg11 : memref<!tpu.dma_semaphore, #tpu.memory_space<semaphore_mem>>) src(%dma_wait3A_762 : memref<32x128xf32, #tpu.memory_space<hbm>>) dst(%dma_wait3A_759 : memref<32x128xf32, #tpu.memory_space<vmem>>)
      %dma_wait3A_763 = arith.constant 14 : i32
      %dma_wait3A_764 = arith.constant 0 : i32
      %dma_wait3A_765 = arith.constant 0 : i32
      %dma_wait3A_766 = tpu.memref_slice %arg8[%dma_wait3A_763, %dma_wait3A_764, %dma_wait3A_765] : memref<16x32x128xf32, #tpu.memory_space<vmem>> -> memref<1x32x128xf32, #tpu.memory_space<vmem>>
      %dma_wait3A_767 = tpu.memref_squeeze %dma_wait3A_766 : memref<1x32x128xf32, #tpu.memory_space<vmem>> -> memref<32x128xf32, #tpu.memory_space<vmem>>
      %dma_wait3A_768 = arith.constant 0 : i32
      %dma_wait3A_769 = arith.constant 0 : i32
      %dma_wait3A_770 = tpu.memref_slice %arg2[%dma_wait3A_768, %dma_wait3A_769] : memref<832x100000xf32, #tpu.memory_space<hbm>> -> memref<32x128xf32, #tpu.memory_space<hbm>>
      %dma_wait3A_771 = arith.constant 0 : i32
      %dma_wait3A_772 = arith.constant 0 : i32
      %dma_wait3A_773 = tpu.memref_slice %arg8[%dma_wait3A_763, %dma_wait3A_771, %dma_wait3A_772] : memref<16x32x128xf32, #tpu.memory_space<vmem>> -> memref<1x32x128xf32, #tpu.memory_space<vmem>>
      %dma_wait3A_774 = tpu.memref_squeeze %dma_wait3A_773 : memref<1x32x128xf32, #tpu.memory_space<vmem>> -> memref<32x128xf32, #tpu.memory_space<vmem>>
      %dma_wait3A_775 = arith.constant 0 : i32
      %dma_wait3A_776 = arith.constant 0 : i32
      %dma_wait3A_777 = tpu.memref_slice %arg2[%dma_wait3A_775, %dma_wait3A_776] : memref<832x100000xf32, #tpu.memory_space<hbm>> -> memref<32x128xf32, #tpu.memory_space<hbm>>
      tpu.wait_dma2 semaphore(%arg11 : memref<!tpu.dma_semaphore, #tpu.memory_space<semaphore_mem>>) src(%dma_wait3A_777 : memref<32x128xf32, #tpu.memory_space<hbm>>) dst(%dma_wait3A_774 : memref<32x128xf32, #tpu.memory_space<vmem>>)
      %dma_wait3A_778 = arith.constant 15 : i32
      %dma_wait3A_779 = arith.constant 0 : i32
      %dma_wait3A_780 = arith.constant 0 : i32
      %dma_wait3A_781 = tpu.memref_slice %arg8[%dma_wait3A_778, %dma_wait3A_779, %dma_wait3A_780] : memref<16x32x128xf32, #tpu.memory_space<vmem>> -> memref<1x32x128xf32, #tpu.memory_space<vmem>>
      %dma_wait3A_782 = tpu.memref_squeeze %dma_wait3A_781 : memref<1x32x128xf32, #tpu.memory_space<vmem>> -> memref<32x128xf32, #tpu.memory_space<vmem>>
      %dma_wait3A_783 = arith.constant 0 : i32
      %dma_wait3A_784 = arith.constant 0 : i32
      %dma_wait3A_785 = tpu.memref_slice %arg2[%dma_wait3A_783, %dma_wait3A_784] : memref<832x100000xf32, #tpu.memory_space<hbm>> -> memref<32x128xf32, #tpu.memory_space<hbm>>
      %dma_wait3A_786 = arith.constant 0 : i32
      %dma_wait3A_787 = arith.constant 0 : i32
      %dma_wait3A_788 = tpu.memref_slice %arg8[%dma_wait3A_778, %dma_wait3A_786, %dma_wait3A_787] : memref<16x32x128xf32, #tpu.memory_space<vmem>> -> memref<1x32x128xf32, #tpu.memory_space<vmem>>
      %dma_wait3A_789 = tpu.memref_squeeze %dma_wait3A_788 : memref<1x32x128xf32, #tpu.memory_space<vmem>> -> memref<32x128xf32, #tpu.memory_space<vmem>>
      %dma_wait3A_790 = arith.constant 0 : i32
      %dma_wait3A_791 = arith.constant 0 : i32
      %dma_wait3A_792 = tpu.memref_slice %arg2[%dma_wait3A_790, %dma_wait3A_791] : memref<832x100000xf32, #tpu.memory_space<hbm>> -> memref<32x128xf32, #tpu.memory_space<hbm>>
      tpu.wait_dma2 semaphore(%arg11 : memref<!tpu.dma_semaphore, #tpu.memory_space<semaphore_mem>>) src(%dma_wait3A_792 : memref<32x128xf32, #tpu.memory_space<hbm>>) dst(%dma_wait3A_789 : memref<32x128xf32, #tpu.memory_space<vmem>>)
      %and3A_793 = arith.constant 127 : i32
      %and3A_794 = vector.broadcast %and3A_793 : i32 to vector<16xi32>
      %and3A_795 = arith.andi %scan3A_373, %and3A_794 : vector<16xi32>
      %slice3A_796 = vector.extract_strided_slice %and3A_795 {offsets = [8], sizes = [1], strides = [1]} : vector<16xi32> to vector<1xi32>
      %squeeze3A_797 = vector.extract %slice3A_796[0] : i32 from vector<1xi32>
      %broadcast_in_dim3A_798 = vector.broadcast %squeeze3A_797 : i32 to vector<16xi32>
      %broadcast_in_dim3A_799 = arith.constant 8 : i32
      %broadcast_in_dim3A_800 = vector.broadcast %broadcast_in_dim3A_799 : i32 to vector<16xi32>
      %add3A_801 = arith.constant 0 : i32
      %add3A_802 = vector.broadcast %add3A_801 : i32 to vector<16xi32>
      %add3A_803 = arith.addi %iota3A, %add3A_802 : vector<16xi32>
      %gather3A_804 = tpu.vector_load_idx %arg8[%broadcast_in_dim3A_800, %add3A_803, %broadcast_in_dim3A_798] : memref<16x32x128xf32, #tpu.memory_space<vmem>>[vector<16xi32>, vector<16xi32>, vector<16xi32>], vector<16xf32>,
      %swap3A_805 = arith.constant 8 : i32
      %swap3A_806 = arith.index_cast %swap3A_805 : i32 to index
      %swap3A_807 = arith.constant 0 : index
      %swap3A_808 = tpu.vector_load %arg9[%swap3A_806, %swap3A_807] {strides = array<i32>} : memref<16x32xf32, #tpu.memory_space<vmem>>, vector<16xf32>,
      tpu.vector_store %arg9[%swap3A_806, %swap3A_807], %gather3A_804 {strides = array<i32>} : memref<16x32xf32, #tpu.memory_space<vmem>>, vector<16xf32>,
      %add3A_809 = arith.constant 16 : i32
      %add3A_810 = vector.broadcast %add3A_809 : i32 to vector<16xi32>
      %add3A_811 = arith.addi %iota3A, %add3A_810 : vector<16xi32>
      %gather3A_812 = tpu.vector_load_idx %arg8[%broadcast_in_dim3A_800, %add3A_811, %broadcast_in_dim3A_798] : memref<16x32x128xf32, #tpu.memory_space<vmem>>[vector<16xi32>, vector<16xi32>, vector<16xi32>], vector<16xf32>,
      %swap3A_813 = arith.constant 8 : i32
      %swap3A_814 = arith.index_cast %swap3A_813 : i32 to index
      %swap3A_815 = arith.constant 16 : index
      %swap3A_816 = tpu.vector_load %arg9[%swap3A_814, %swap3A_815] {strides = array<i32>} : memref<16x32xf32, #tpu.memory_space<vmem>>, vector<16xf32>,
      tpu.vector_store %arg9[%swap3A_814, %swap3A_815], %gather3A_812 {strides = array<i32>} : memref<16x32xf32, #tpu.memory_space<vmem>>, vector<16xf32>,
      %slice3A_817 = vector.extract_strided_slice %and3A_795 {offsets = [9], sizes = [1], strides = [1]} : vector<16xi32> to vector<1xi32>
      %squeeze3A_818 = vector.extract %slice3A_817[0] : i32 from vector<1xi32>
      %broadcast_in_dim3A_819 = vector.broadcast %squeeze3A_818 : i32 to vector<16xi32>
      %broadcast_in_dim3A_820 = arith.constant 9 : i32
      %broadcast_in_dim3A_821 = vector.broadcast %broadcast_in_dim3A_820 : i32 to vector<16xi32>
      %add3A_822 = arith.constant 0 : i32
      %add3A_823 = vector.broadcast %add3A_822 : i32 to vector<16xi32>
      %add3A_824 = arith.addi %iota3A, %add3A_823 : vector<16xi32>
      %gather3A_825 = tpu.vector_load_idx %arg8[%broadcast_in_dim3A_821, %add3A_824, %broadcast_in_dim3A_819] : memref<16x32x128xf32, #tpu.memory_space<vmem>>[vector<16xi32>, vector<16xi32>, vector<16xi32>], vector<16xf32>,
      %swap3A_826 = arith.constant 9 : i32
      %swap3A_827 = arith.index_cast %swap3A_826 : i32 to index
      %swap3A_828 = arith.constant 0 : index
      %swap3A_829 = tpu.vector_load %arg9[%swap3A_827, %swap3A_828] {strides = array<i32>} : memref<16x32xf32, #tpu.memory_space<vmem>>, vector<16xf32>,
      tpu.vector_store %arg9[%swap3A_827, %swap3A_828], %gather3A_825 {strides = array<i32>} : memref<16x32xf32, #tpu.memory_space<vmem>>, vector<16xf32>,
      %add3A_830 = arith.constant 16 : i32
      %add3A_831 = vector.broadcast %add3A_830 : i32 to vector<16xi32>
      %add3A_832 = arith.addi %iota3A, %add3A_831 : vector<16xi32>
      %gather3A_833 = tpu.vector_load_idx %arg8[%broadcast_in_dim3A_821, %add3A_832, %broadcast_in_dim3A_819] : memref<16x32x128xf32, #tpu.memory_space<vmem>>[vector<16xi32>, vector<16xi32>, vector<16xi32>], vector<16xf32>,
      %swap3A_834 = arith.constant 9 : i32
      %swap3A_835 = arith.index_cast %swap3A_834 : i32 to index
      %swap3A_836 = arith.constant 16 : index
      %swap3A_837 = tpu.vector_load %arg9[%swap3A_835, %swap3A_836] {strides = array<i32>} : memref<16x32xf32, #tpu.memory_space<vmem>>, vector<16xf32>,
      tpu.vector_store %arg9[%swap3A_835, %swap3A_836], %gather3A_833 {strides = array<i32>} : memref<16x32xf32, #tpu.memory_space<vmem>>, vector<16xf32>,
      %slice3A_838 = vector.extract_strided_slice %and3A_795 {offsets = [10], sizes = [1], strides = [1]} : vector<16xi32> to vector<1xi32>
      %squeeze3A_839 = vector.extract %slice3A_838[0] : i32 from vector<1xi32>
      %broadcast_in_dim3A_840 = vector.broadcast %squeeze3A_839 : i32 to vector<16xi32>
      %broadcast_in_dim3A_841 = arith.constant 10 : i32
      %broadcast_in_dim3A_842 = vector.broadcast %broadcast_in_dim3A_841 : i32 to vector<16xi32>
      %add3A_843 = arith.constant 0 : i32
      %add3A_844 = vector.broadcast %add3A_843 : i32 to vector<16xi32>
      %add3A_845 = arith.addi %iota3A, %add3A_844 : vector<16xi32>
      %gather3A_846 = tpu.vector_load_idx %arg8[%broadcast_in_dim3A_842, %add3A_845, %broadcast_in_dim3A_840] : memref<16x32x128xf32, #tpu.memory_space<vmem>>[vector<16xi32>, vector<16xi32>, vector<16xi32>], vector<16xf32>,
      %swap3A_847 = arith.constant 10 : i32
      %swap3A_848 = arith.index_cast %swap3A_847 : i32 to index
      %swap3A_849 = arith.constant 0 : index
      %swap3A_850 = tpu.vector_load %arg9[%swap3A_848, %swap3A_849] {strides = array<i32>} : memref<16x32xf32, #tpu.memory_space<vmem>>, vector<16xf32>,
      tpu.vector_store %arg9[%swap3A_848, %swap3A_849], %gather3A_846 {strides = array<i32>} : memref<16x32xf32, #tpu.memory_space<vmem>>, vector<16xf32>,
      %add3A_851 = arith.constant 16 : i32
      %add3A_852 = vector.broadcast %add3A_851 : i32 to vector<16xi32>
      %add3A_853 = arith.addi %iota3A, %add3A_852 : vector<16xi32>
      %gather3A_854 = tpu.vector_load_idx %arg8[%broadcast_in_dim3A_842, %add3A_853, %broadcast_in_dim3A_840] : memref<16x32x128xf32, #tpu.memory_space<vmem>>[vector<16xi32>, vector<16xi32>, vector<16xi32>], vector<16xf32>,
      %swap3A_855 = arith.constant 10 : i32
      %swap3A_856 = arith.index_cast %swap3A_855 : i32 to index
      %swap3A_857 = arith.constant 16 : index
      %swap3A_858 = tpu.vector_load %arg9[%swap3A_856, %swap3A_857] {strides = array<i32>} : memref<16x32xf32, #tpu.memory_space<vmem>>, vector<16xf32>,
      tpu.vector_store %arg9[%swap3A_856, %swap3A_857], %gather3A_854 {strides = array<i32>} : memref<16x32xf32, #tpu.memory_space<vmem>>, vector<16xf32>,
      %slice3A_859 = vector.extract_strided_slice %and3A_795 {offsets = [11], sizes = [1], strides = [1]} : vector<16xi32> to vector<1xi32>
      %squeeze3A_860 = vector.extract %slice3A_859[0] : i32 from vector<1xi32>
      %broadcast_in_dim3A_861 = vector.broadcast %squeeze3A_860 : i32 to vector<16xi32>
      %broadcast_in_dim3A_862 = arith.constant 11 : i32
      %broadcast_in_dim3A_863 = vector.broadcast %broadcast_in_dim3A_862 : i32 to vector<16xi32>
      %add3A_864 = arith.constant 0 : i32
      %add3A_865 = vector.broadcast %add3A_864 : i32 to vector<16xi32>
      %add3A_866 = arith.addi %iota3A, %add3A_865 : vector<16xi32>
      %gather3A_867 = tpu.vector_load_idx %arg8[%broadcast_in_dim3A_863, %add3A_866, %broadcast_in_dim3A_861] : memref<16x32x128xf32, #tpu.memory_space<vmem>>[vector<16xi32>, vector<16xi32>, vector<16xi32>], vector<16xf32>,
      %swap3A_868 = arith.constant 11 : i32
      %swap3A_869 = arith.index_cast %swap3A_868 : i32 to index
      %swap3A_870 = arith.constant 0 : index
      %swap3A_871 = tpu.vector_load %arg9[%swap3A_869, %swap3A_870] {strides = array<i32>} : memref<16x32xf32, #tpu.memory_space<vmem>>, vector<16xf32>,
      tpu.vector_store %arg9[%swap3A_869, %swap3A_870], %gather3A_867 {strides = array<i32>} : memref<16x32xf32, #tpu.memory_space<vmem>>, vector<16xf32>,
      %add3A_872 = arith.constant 16 : i32
      %add3A_873 = vector.broadcast %add3A_872 : i32 to vector<16xi32>
      %add3A_874 = arith.addi %iota3A, %add3A_873 : vector<16xi32>
      %gather3A_875 = tpu.vector_load_idx %arg8[%broadcast_in_dim3A_863, %add3A_874, %broadcast_in_dim3A_861] : memref<16x32x128xf32, #tpu.memory_space<vmem>>[vector<16xi32>, vector<16xi32>, vector<16xi32>], vector<16xf32>,
      %swap3A_876 = arith.constant 11 : i32
      %swap3A_877 = arith.index_cast %swap3A_876 : i32 to index
      %swap3A_878 = arith.constant 16 : index
      %swap3A_879 = tpu.vector_load %arg9[%swap3A_877, %swap3A_878] {strides = array<i32>} : memref<16x32xf32, #tpu.memory_space<vmem>>, vector<16xf32>,
      tpu.vector_store %arg9[%swap3A_877, %swap3A_878], %gather3A_875 {strides = array<i32>} : memref<16x32xf32, #tpu.memory_space<vmem>>, vector<16xf32>,
      %slice3A_880 = vector.extract_strided_slice %and3A_795 {offsets = [12], sizes = [1], strides = [1]} : vector<16xi32> to vector<1xi32>
      %squeeze3A_881 = vector.extract %slice3A_880[0] : i32 from vector<1xi32>
      %broadcast_in_dim3A_882 = vector.broadcast %squeeze3A_881 : i32 to vector<16xi32>
      %broadcast_in_dim3A_883 = arith.constant 12 : i32
      %broadcast_in_dim3A_884 = vector.broadcast %broadcast_in_dim3A_883 : i32 to vector<16xi32>
      %add3A_885 = arith.constant 0 : i32
      %add3A_886 = vector.broadcast %add3A_885 : i32 to vector<16xi32>
      %add3A_887 = arith.addi %iota3A, %add3A_886 : vector<16xi32>
      %gather3A_888 = tpu.vector_load_idx %arg8[%broadcast_in_dim3A_884, %add3A_887, %broadcast_in_dim3A_882] : memref<16x32x128xf32, #tpu.memory_space<vmem>>[vector<16xi32>, vector<16xi32>, vector<16xi32>], vector<16xf32>,
      %swap3A_889 = arith.constant 12 : i32
      %swap3A_890 = arith.index_cast %swap3A_889 : i32 to index
      %swap3A_891 = arith.constant 0 : index
      %swap3A_892 = tpu.vector_load %arg9[%swap3A_890, %swap3A_891] {strides = array<i32>} : memref<16x32xf32, #tpu.memory_space<vmem>>, vector<16xf32>,
      tpu.vector_store %arg9[%swap3A_890, %swap3A_891], %gather3A_888 {strides = array<i32>} : memref<16x32xf32, #tpu.memory_space<vmem>>, vector<16xf32>,
      %add3A_893 = arith.constant 16 : i32
      %add3A_894 = vector.broadcast %add3A_893 : i32 to vector<16xi32>
      %add3A_895 = arith.addi %iota3A, %add3A_894 : vector<16xi32>
      %gather3A_896 = tpu.vector_load_idx %arg8[%broadcast_in_dim3A_884, %add3A_895, %broadcast_in_dim3A_882] : memref<16x32x128xf32, #tpu.memory_space<vmem>>[vector<16xi32>, vector<16xi32>, vector<16xi32>], vector<16xf32>,
      %swap3A_897 = arith.constant 12 : i32
      %swap3A_898 = arith.index_cast %swap3A_897 : i32 to index
      %swap3A_899 = arith.constant 16 : index
      %swap3A_900 = tpu.vector_load %arg9[%swap3A_898, %swap3A_899] {strides = array<i32>} : memref<16x32xf32, #tpu.memory_space<vmem>>, vector<16xf32>,
      tpu.vector_store %arg9[%swap3A_898, %swap3A_899], %gather3A_896 {strides = array<i32>} : memref<16x32xf32, #tpu.memory_space<vmem>>, vector<16xf32>,
      %slice3A_901 = vector.extract_strided_slice %and3A_795 {offsets = [13], sizes = [1], strides = [1]} : vector<16xi32> to vector<1xi32>
      %squeeze3A_902 = vector.extract %slice3A_901[0] : i32 from vector<1xi32>
      %broadcast_in_dim3A_903 = vector.broadcast %squeeze3A_902 : i32 to vector<16xi32>
      %broadcast_in_dim3A_904 = arith.constant 13 : i32
      %broadcast_in_dim3A_905 = vector.broadcast %broadcast_in_dim3A_904 : i32 to vector<16xi32>
      %add3A_906 = arith.constant 0 : i32
      %add3A_907 = vector.broadcast %add3A_906 : i32 to vector<16xi32>
      %add3A_908 = arith.addi %iota3A, %add3A_907 : vector<16xi32>
      %gather3A_909 = tpu.vector_load_idx %arg8[%broadcast_in_dim3A_905, %add3A_908, %broadcast_in_dim3A_903] : memref<16x32x128xf32, #tpu.memory_space<vmem>>[vector<16xi32>, vector<16xi32>, vector<16xi32>], vector<16xf32>,
      %swap3A_910 = arith.constant 13 : i32
      %swap3A_911 = arith.index_cast %swap3A_910 : i32 to index
      %swap3A_912 = arith.constant 0 : index
      %swap3A_913 = tpu.vector_load %arg9[%swap3A_911, %swap3A_912] {strides = array<i32>} : memref<16x32xf32, #tpu.memory_space<vmem>>, vector<16xf32>,
      tpu.vector_store %arg9[%swap3A_911, %swap3A_912], %gather3A_909 {strides = array<i32>} : memref<16x32xf32, #tpu.memory_space<vmem>>, vector<16xf32>,
      %add3A_914 = arith.constant 16 : i32
      %add3A_915 = vector.broadcast %add3A_914 : i32 to vector<16xi32>
      %add3A_916 = arith.addi %iota3A, %add3A_915 : vector<16xi32>
      %gather3A_917 = tpu.vector_load_idx %arg8[%broadcast_in_dim3A_905, %add3A_916, %broadcast_in_dim3A_903] : memref<16x32x128xf32, #tpu.memory_space<vmem>>[vector<16xi32>, vector<16xi32>, vector<16xi32>], vector<16xf32>,
      %swap3A_918 = arith.constant 13 : i32
      %swap3A_919 = arith.index_cast %swap3A_918 : i32 to index
      %swap3A_920 = arith.constant 16 : index
      %swap3A_921 = tpu.vector_load %arg9[%swap3A_919, %swap3A_920] {strides = array<i32>} : memref<16x32xf32, #tpu.memory_space<vmem>>, vector<16xf32>,
      tpu.vector_store %arg9[%swap3A_919, %swap3A_920], %gather3A_917 {strides = array<i32>} : memref<16x32xf32, #tpu.memory_space<vmem>>, vector<16xf32>,
      %slice3A_922 = vector.extract_strided_slice %and3A_795 {offsets = [14], sizes = [1], strides = [1]} : vector<16xi32> to vector<1xi32>
      %squeeze3A_923 = vector.extract %slice3A_922[0] : i32 from vector<1xi32>
      %broadcast_in_dim3A_924 = vector.broadcast %squeeze3A_923 : i32 to vector<16xi32>
      %broadcast_in_dim3A_925 = arith.constant 14 : i32
      %broadcast_in_dim3A_926 = vector.broadcast %broadcast_in_dim3A_925 : i32 to vector<16xi32>
      %add3A_927 = arith.constant 0 : i32
      %add3A_928 = vector.broadcast %add3A_927 : i32 to vector<16xi32>
      %add3A_929 = arith.addi %iota3A, %add3A_928 : vector<16xi32>
      %gather3A_930 = tpu.vector_load_idx %arg8[%broadcast_in_dim3A_926, %add3A_929, %broadcast_in_dim3A_924] : memref<16x32x128xf32, #tpu.memory_space<vmem>>[vector<16xi32>, vector<16xi32>, vector<16xi32>], vector<16xf32>,
      %swap3A_931 = arith.constant 14 : i32
      %swap3A_932 = arith.index_cast %swap3A_931 : i32 to index
      %swap3A_933 = arith.constant 0 : index
      %swap3A_934 = tpu.vector_load %arg9[%swap3A_932, %swap3A_933] {strides = array<i32>} : memref<16x32xf32, #tpu.memory_space<vmem>>, vector<16xf32>,
      tpu.vector_store %arg9[%swap3A_932, %swap3A_933], %gather3A_930 {strides = array<i32>} : memref<16x32xf32, #tpu.memory_space<vmem>>, vector<16xf32>,
      %add3A_935 = arith.constant 16 : i32
      %add3A_936 = vector.broadcast %add3A_935 : i32 to vector<16xi32>
      %add3A_937 = arith.addi %iota3A, %add3A_936 : vector<16xi32>
      %gather3A_938 = tpu.vector_load_idx %arg8[%broadcast_in_dim3A_926, %add3A_937, %broadcast_in_dim3A_924] : memref<16x32x128xf32, #tpu.memory_space<vmem>>[vector<16xi32>, vector<16xi32>, vector<16xi32>], vector<16xf32>,
      %swap3A_939 = arith.constant 14 : i32
      %swap3A_940 = arith.index_cast %swap3A_939 : i32 to index
      %swap3A_941 = arith.constant 16 : index
      %swap3A_942 = tpu.vector_load %arg9[%swap3A_940, %swap3A_941] {strides = array<i32>} : memref<16x32xf32, #tpu.memory_space<vmem>>, vector<16xf32>,
      tpu.vector_store %arg9[%swap3A_940, %swap3A_941], %gather3A_938 {strides = array<i32>} : memref<16x32xf32, #tpu.memory_space<vmem>>, vector<16xf32>,
      %slice3A_943 = vector.extract_strided_slice %and3A_795 {offsets = [15], sizes = [1], strides = [1]} : vector<16xi32> to vector<1xi32>
      %squeeze3A_944 = vector.extract %slice3A_943[0] : i32 from vector<1xi32>
      %broadcast_in_dim3A_945 = vector.broadcast %squeeze3A_944 : i32 to vector<16xi32>
      %broadcast_in_dim3A_946 = arith.constant 15 : i32
      %broadcast_in_dim3A_947 = vector.broadcast %broadcast_in_dim3A_946 : i32 to vector<16xi32>
      %add3A_948 = arith.constant 0 : i32
      %add3A_949 = vector.broadcast %add3A_948 : i32 to vector<16xi32>
      %add3A_950 = arith.addi %iota3A, %add3A_949 : vector<16xi32>
      %gather3A_951 = tpu.vector_load_idx %arg8[%broadcast_in_dim3A_947, %add3A_950, %broadcast_in_dim3A_945] : memref<16x32x128xf32, #tpu.memory_space<vmem>>[vector<16xi32>, vector<16xi32>, vector<16xi32>], vector<16xf32>,
      %swap3A_952 = arith.constant 15 : i32
      %swap3A_953 = arith.index_cast %swap3A_952 : i32 to index
      %swap3A_954 = arith.constant 0 : index
      %swap3A_955 = tpu.vector_load %arg9[%swap3A_953, %swap3A_954] {strides = array<i32>} : memref<16x32xf32, #tpu.memory_space<vmem>>, vector<16xf32>,
      tpu.vector_store %arg9[%swap3A_953, %swap3A_954], %gather3A_951 {strides = array<i32>} : memref<16x32xf32, #tpu.memory_space<vmem>>, vector<16xf32>,
      %add3A_956 = arith.constant 16 : i32
      %add3A_957 = vector.broadcast %add3A_956 : i32 to vector<16xi32>
      %add3A_958 = arith.addi %iota3A, %add3A_957 : vector<16xi32>
      %gather3A_959 = tpu.vector_load_idx %arg8[%broadcast_in_dim3A_947, %add3A_958, %broadcast_in_dim3A_945] : memref<16x32x128xf32, #tpu.memory_space<vmem>>[vector<16xi32>, vector<16xi32>, vector<16xi32>], vector<16xf32>,
      %swap3A_960 = arith.constant 15 : i32
      %swap3A_961 = arith.index_cast %swap3A_960 : i32 to index
      %swap3A_962 = arith.constant 16 : index
      %swap3A_963 = tpu.vector_load %arg9[%swap3A_961, %swap3A_962] {strides = array<i32>} : memref<16x32xf32, #tpu.memory_space<vmem>>, vector<16xf32>,
      tpu.vector_store %arg9[%swap3A_961, %swap3A_962], %gather3A_959 {strides = array<i32>} : memref<16x32xf32, #tpu.memory_space<vmem>>, vector<16xf32>,
      %add3A_964 = arith.constant 1 : i32
      %add3A_965 = arith.addi %scan3A_371, %add3A_964 : i32
      %lt3A_966 = arith.constant 32 : i32
      %lt3A_967 = arith.cmpi slt, %add3A_965, %lt3A_966 : i32
      %convert_element_type3A_968 = arith.extui %lt3A_967 : i1 to i32
      %cond3A_969 = arith.constant 0 : i32
      %cond3A_970 = arith.cmpi ne, %convert_element_type3A_968, %cond3A_969 : i32
      scf.if %cond3A_970 {
        %slice3A_985 = vector.extract_strided_slice %get3A_380 {offsets = [8], sizes = [1], strides = [1]} : vector<16xi32> to vector<1xi32>
        %squeeze3A_986 = vector.extract %slice3A_985[0] : i32 from vector<1xi32>
        %slice3A_987 = vector.extract_strided_slice %get3A_382 {offsets = [8], sizes = [1], strides = [1]} : vector<16xi32> to vector<1xi32>
        %squeeze3A_988 = vector.extract %slice3A_987[0] : i32 from vector<1xi32>
        %shift_right_arithmetic3A_989 = arith.constant 7 : i32
        %shift_right_arithmetic3A_990 = arith.shrsi %squeeze3A_988, %shift_right_arithmetic3A_989 : i32
        %shift_left3A_991 = arith.constant 7 : i32
        %shift_left3A_992 = arith.shli %shift_right_arithmetic3A_990, %shift_left3A_991 : i32
        %multiple_of3A_993 = tpu.assume_multiple %shift_left3A_992, 128 : i32
        %mul3A_994 = arith.constant 32 : i32
        %mul3A_995 = arith.muli %squeeze3A_986, %mul3A_994 : i32
        %multiple_of3A_996 = tpu.assume_multiple %mul3A_995, 32 : i32
        %dma_start3A_997 = arith.constant 8 : i32
        %dma_start3A_998 = arith.constant 0 : i32
        %dma_start3A_999 = arith.constant 0 : i32
        %dma_start3A_1000 = tpu.memref_slice %arg8[%dma_start3A_997, %dma_start3A_998, %dma_start3A_999] : memref<16x32x128xf32, #tpu.memory_space<vmem>> -> memref<1x32x128xf32, #tpu.memory_space<vmem>>
        %dma_start3A_1001 = tpu.memref_squeeze %dma_start3A_1000 : memref<1x32x128xf32, #tpu.memory_space<vmem>> -> memref<32x128xf32, #tpu.memory_space<vmem>>
        %dma_start3A_1002 = tpu.memref_slice %arg2[%multiple_of3A_996, %multiple_of3A_993] : memref<832x100000xf32, #tpu.memory_space<hbm>> -> memref<32x128xf32, #tpu.memory_space<hbm>>
        %dma_start3A_1003 = arith.constant 0 : i32
        %dma_start3A_1004 = arith.constant 0 : i32
        %dma_start3A_1005 = tpu.memref_slice %arg8[%dma_start3A_997, %dma_start3A_1003, %dma_start3A_1004] : memref<16x32x128xf32, #tpu.memory_space<vmem>> -> memref<1x32x128xf32, #tpu.memory_space<vmem>>
        %dma_start3A_1006 = tpu.memref_squeeze %dma_start3A_1005 : memref<1x32x128xf32, #tpu.memory_space<vmem>> -> memref<32x128xf32, #tpu.memory_space<vmem>>
        %dma_start3A_1007 = tpu.memref_slice %arg2[%multiple_of3A_996, %multiple_of3A_993] : memref<832x100000xf32, #tpu.memory_space<hbm>> -> memref<32x128xf32, #tpu.memory_space<hbm>>
        tpu.enqueue_dma source(%dma_start3A_1007 : memref<32x128xf32, #tpu.memory_space<hbm>>) target(%dma_start3A_1006 : memref<32x128xf32, #tpu.memory_space<vmem>>) target_semaphore(%arg11 : memref<!tpu.dma_semaphore, #tpu.memory_space<semaphore_mem>>)
        %slice3A_1008 = vector.extract_strided_slice %get3A_380 {offsets = [9], sizes = [1], strides = [1]} : vector<16xi32> to vector<1xi32>
        %squeeze3A_1009 = vector.extract %slice3A_1008[0] : i32 from vector<1xi32>
        %slice3A_1010 = vector.extract_strided_slice %get3A_382 {offsets = [9], sizes = [1], strides = [1]} : vector<16xi32> to vector<1xi32>
        %squeeze3A_1011 = vector.extract %slice3A_1010[0] : i32 from vector<1xi32>
        %shift_right_arithmetic3A_1012 = arith.constant 7 : i32
        %shift_right_arithmetic3A_1013 = arith.shrsi %squeeze3A_1011, %shift_right_arithmetic3A_1012 : i32
        %shift_left3A_1014 = arith.constant 7 : i32
        %shift_left3A_1015 = arith.shli %shift_right_arithmetic3A_1013, %shift_left3A_1014 : i32
        %multiple_of3A_1016 = tpu.assume_multiple %shift_left3A_1015, 128 : i32
        %mul3A_1017 = arith.constant 32 : i32
        %mul3A_1018 = arith.muli %squeeze3A_1009, %mul3A_1017 : i32
        %multiple_of3A_1019 = tpu.assume_multiple %mul3A_1018, 32 : i32
        %dma_start3A_1020 = arith.constant 9 : i32
        %dma_start3A_1021 = arith.constant 0 : i32
        %dma_start3A_1022 = arith.constant 0 : i32
        %dma_start3A_1023 = tpu.memref_slice %arg8[%dma_start3A_1020, %dma_start3A_1021, %dma_start3A_1022] : memref<16x32x128xf32, #tpu.memory_space<vmem>> -> memref<1x32x128xf32, #tpu.memory_space<vmem>>
        %dma_start3A_1024 = tpu.memref_squeeze %dma_start3A_1023 : memref<1x32x128xf32, #tpu.memory_space<vmem>> -> memref<32x128xf32, #tpu.memory_space<vmem>>
        %dma_start3A_1025 = tpu.memref_slice %arg2[%multiple_of3A_1019, %multiple_of3A_1016] : memref<832x100000xf32, #tpu.memory_space<hbm>> -> memref<32x128xf32, #tpu.memory_space<hbm>>
        %dma_start3A_1026 = arith.constant 0 : i32
        %dma_start3A_1027 = arith.constant 0 : i32
        %dma_start3A_1028 = tpu.memref_slice %arg8[%dma_start3A_1020, %dma_start3A_1026, %dma_start3A_1027] : memref<16x32x128xf32, #tpu.memory_space<vmem>> -> memref<1x32x128xf32, #tpu.memory_space<vmem>>
        %dma_start3A_1029 = tpu.memref_squeeze %dma_start3A_1028 : memref<1x32x128xf32, #tpu.memory_space<vmem>> -> memref<32x128xf32, #tpu.memory_space<vmem>>
        %dma_start3A_1030 = tpu.memref_slice %arg2[%multiple_of3A_1019, %multiple_of3A_1016] : memref<832x100000xf32, #tpu.memory_space<hbm>> -> memref<32x128xf32, #tpu.memory_space<hbm>>
        tpu.enqueue_dma source(%dma_start3A_1030 : memref<32x128xf32, #tpu.memory_space<hbm>>) target(%dma_start3A_1029 : memref<32x128xf32, #tpu.memory_space<vmem>>) target_semaphore(%arg11 : memref<!tpu.dma_semaphore, #tpu.memory_space<semaphore_mem>>)
        %slice3A_1031 = vector.extract_strided_slice %get3A_380 {offsets = [10], sizes = [1], strides = [1]} : vector<16xi32> to vector<1xi32>
        %squeeze3A_1032 = vector.extract %slice3A_1031[0] : i32 from vector<1xi32>
        %slice3A_1033 = vector.extract_strided_slice %get3A_382 {offsets = [10], sizes = [1], strides = [1]} : vector<16xi32> to vector<1xi32>
        %squeeze3A_1034 = vector.extract %slice3A_1033[0] : i32 from vector<1xi32>
        %shift_right_arithmetic3A_1035 = arith.constant 7 : i32
        %shift_right_arithmetic3A_1036 = arith.shrsi %squeeze3A_1034, %shift_right_arithmetic3A_1035 : i32
        %shift_left3A_1037 = arith.constant 7 : i32
        %shift_left3A_1038 = arith.shli %shift_right_arithmetic3A_1036, %shift_left3A_1037 : i32
        %multiple_of3A_1039 = tpu.assume_multiple %shift_left3A_1038, 128 : i32
        %mul3A_1040 = arith.constant 32 : i32
        %mul3A_1041 = arith.muli %squeeze3A_1032, %mul3A_1040 : i32
        %multiple_of3A_1042 = tpu.assume_multiple %mul3A_1041, 32 : i32
        %dma_start3A_1043 = arith.constant 10 : i32
        %dma_start3A_1044 = arith.constant 0 : i32
        %dma_start3A_1045 = arith.constant 0 : i32
        %dma_start3A_1046 = tpu.memref_slice %arg8[%dma_start3A_1043, %dma_start3A_1044, %dma_start3A_1045] : memref<16x32x128xf32, #tpu.memory_space<vmem>> -> memref<1x32x128xf32, #tpu.memory_space<vmem>>
        %dma_start3A_1047 = tpu.memref_squeeze %dma_start3A_1046 : memref<1x32x128xf32, #tpu.memory_space<vmem>> -> memref<32x128xf32, #tpu.memory_space<vmem>>
        %dma_start3A_1048 = tpu.memref_slice %arg2[%multiple_of3A_1042, %multiple_of3A_1039] : memref<832x100000xf32, #tpu.memory_space<hbm>> -> memref<32x128xf32, #tpu.memory_space<hbm>>
        %dma_start3A_1049 = arith.constant 0 : i32
        %dma_start3A_1050 = arith.constant 0 : i32
        %dma_start3A_1051 = tpu.memref_slice %arg8[%dma_start3A_1043, %dma_start3A_1049, %dma_start3A_1050] : memref<16x32x128xf32, #tpu.memory_space<vmem>> -> memref<1x32x128xf32, #tpu.memory_space<vmem>>
        %dma_start3A_1052 = tpu.memref_squeeze %dma_start3A_1051 : memref<1x32x128xf32, #tpu.memory_space<vmem>> -> memref<32x128xf32, #tpu.memory_space<vmem>>
        %dma_start3A_1053 = tpu.memref_slice %arg2[%multiple_of3A_1042, %multiple_of3A_1039] : memref<832x100000xf32, #tpu.memory_space<hbm>> -> memref<32x128xf32, #tpu.memory_space<hbm>>
        tpu.enqueue_dma source(%dma_start3A_1053 : memref<32x128xf32, #tpu.memory_space<hbm>>) target(%dma_start3A_1052 : memref<32x128xf32, #tpu.memory_space<vmem>>) target_semaphore(%arg11 : memref<!tpu.dma_semaphore, #tpu.memory_space<semaphore_mem>>)
        %slice3A_1054 = vector.extract_strided_slice %get3A_380 {offsets = [11], sizes = [1], strides = [1]} : vector<16xi32> to vector<1xi32>
        %squeeze3A_1055 = vector.extract %slice3A_1054[0] : i32 from vector<1xi32>
        %slice3A_1056 = vector.extract_strided_slice %get3A_382 {offsets = [11], sizes = [1], strides = [1]} : vector<16xi32> to vector<1xi32>
        %squeeze3A_1057 = vector.extract %slice3A_1056[0] : i32 from vector<1xi32>
        %shift_right_arithmetic3A_1058 = arith.constant 7 : i32
        %shift_right_arithmetic3A_1059 = arith.shrsi %squeeze3A_1057, %shift_right_arithmetic3A_1058 : i32
        %shift_left3A_1060 = arith.constant 7 : i32
        %shift_left3A_1061 = arith.shli %shift_right_arithmetic3A_1059, %shift_left3A_1060 : i32
        %multiple_of3A_1062 = tpu.assume_multiple %shift_left3A_1061, 128 : i32
        %mul3A_1063 = arith.constant 32 : i32
        %mul3A_1064 = arith.muli %squeeze3A_1055, %mul3A_1063 : i32
        %multiple_of3A_1065 = tpu.assume_multiple %mul3A_1064, 32 : i32
        %dma_start3A_1066 = arith.constant 11 : i32
        %dma_start3A_1067 = arith.constant 0 : i32
        %dma_start3A_1068 = arith.constant 0 : i32
        %dma_start3A_1069 = tpu.memref_slice %arg8[%dma_start3A_1066, %dma_start3A_1067, %dma_start3A_1068] : memref<16x32x128xf32, #tpu.memory_space<vmem>> -> memref<1x32x128xf32, #tpu.memory_space<vmem>>
        %dma_start3A_1070 = tpu.memref_squeeze %dma_start3A_1069 : memref<1x32x128xf32, #tpu.memory_space<vmem>> -> memref<32x128xf32, #tpu.memory_space<vmem>>
        %dma_start3A_1071 = tpu.memref_slice %arg2[%multiple_of3A_1065, %multiple_of3A_1062] : memref<832x100000xf32, #tpu.memory_space<hbm>> -> memref<32x128xf32, #tpu.memory_space<hbm>>
        %dma_start3A_1072 = arith.constant 0 : i32
        %dma_start3A_1073 = arith.constant 0 : i32
        %dma_start3A_1074 = tpu.memref_slice %arg8[%dma_start3A_1066, %dma_start3A_1072, %dma_start3A_1073] : memref<16x32x128xf32, #tpu.memory_space<vmem>> -> memref<1x32x128xf32, #tpu.memory_space<vmem>>
        %dma_start3A_1075 = tpu.memref_squeeze %dma_start3A_1074 : memref<1x32x128xf32, #tpu.memory_space<vmem>> -> memref<32x128xf32, #tpu.memory_space<vmem>>
        %dma_start3A_1076 = tpu.memref_slice %arg2[%multiple_of3A_1065, %multiple_of3A_1062] : memref<832x100000xf32, #tpu.memory_space<hbm>> -> memref<32x128xf32, #tpu.memory_space<hbm>>
        tpu.enqueue_dma source(%dma_start3A_1076 : memref<32x128xf32, #tpu.memory_space<hbm>>) target(%dma_start3A_1075 : memref<32x128xf32, #tpu.memory_space<vmem>>) target_semaphore(%arg11 : memref<!tpu.dma_semaphore, #tpu.memory_space<semaphore_mem>>)
        %slice3A_1077 = vector.extract_strided_slice %get3A_380 {offsets = [12], sizes = [1], strides = [1]} : vector<16xi32> to vector<1xi32>
        %squeeze3A_1078 = vector.extract %slice3A_1077[0] : i32 from vector<1xi32>
        %slice3A_1079 = vector.extract_strided_slice %get3A_382 {offsets = [12], sizes = [1], strides = [1]} : vector<16xi32> to vector<1xi32>
        %squeeze3A_1080 = vector.extract %slice3A_1079[0] : i32 from vector<1xi32>
        %shift_right_arithmetic3A_1081 = arith.constant 7 : i32
        %shift_right_arithmetic3A_1082 = arith.shrsi %squeeze3A_1080, %shift_right_arithmetic3A_1081 : i32
        %shift_left3A_1083 = arith.constant 7 : i32
        %shift_left3A_1084 = arith.shli %shift_right_arithmetic3A_1082, %shift_left3A_1083 : i32
        %multiple_of3A_1085 = tpu.assume_multiple %shift_left3A_1084, 128 : i32
        %mul3A_1086 = arith.constant 32 : i32
        %mul3A_1087 = arith.muli %squeeze3A_1078, %mul3A_1086 : i32
        %multiple_of3A_1088 = tpu.assume_multiple %mul3A_1087, 32 : i32
        %dma_start3A_1089 = arith.constant 12 : i32
        %dma_start3A_1090 = arith.constant 0 : i32
        %dma_start3A_1091 = arith.constant 0 : i32
        %dma_start3A_1092 = tpu.memref_slice %arg8[%dma_start3A_1089, %dma_start3A_1090, %dma_start3A_1091] : memref<16x32x128xf32, #tpu.memory_space<vmem>> -> memref<1x32x128xf32, #tpu.memory_space<vmem>>
        %dma_start3A_1093 = tpu.memref_squeeze %dma_start3A_1092 : memref<1x32x128xf32, #tpu.memory_space<vmem>> -> memref<32x128xf32, #tpu.memory_space<vmem>>
        %dma_start3A_1094 = tpu.memref_slice %arg2[%multiple_of3A_1088, %multiple_of3A_1085] : memref<832x100000xf32, #tpu.memory_space<hbm>> -> memref<32x128xf32, #tpu.memory_space<hbm>>
        %dma_start3A_1095 = arith.constant 0 : i32
        %dma_start3A_1096 = arith.constant 0 : i32
        %dma_start3A_1097 = tpu.memref_slice %arg8[%dma_start3A_1089, %dma_start3A_1095, %dma_start3A_1096] : memref<16x32x128xf32, #tpu.memory_space<vmem>> -> memref<1x32x128xf32, #tpu.memory_space<vmem>>
        %dma_start3A_1098 = tpu.memref_squeeze %dma_start3A_1097 : memref<1x32x128xf32, #tpu.memory_space<vmem>> -> memref<32x128xf32, #tpu.memory_space<vmem>>
        %dma_start3A_1099 = tpu.memref_slice %arg2[%multiple_of3A_1088, %multiple_of3A_1085] : memref<832x100000xf32, #tpu.memory_space<hbm>> -> memref<32x128xf32, #tpu.memory_space<hbm>>
        tpu.enqueue_dma source(%dma_start3A_1099 : memref<32x128xf32, #tpu.memory_space<hbm>>) target(%dma_start3A_1098 : memref<32x128xf32, #tpu.memory_space<vmem>>) target_semaphore(%arg11 : memref<!tpu.dma_semaphore, #tpu.memory_space<semaphore_mem>>)
        %slice3A_1100 = vector.extract_strided_slice %get3A_380 {offsets = [13], sizes = [1], strides = [1]} : vector<16xi32> to vector<1xi32>
        %squeeze3A_1101 = vector.extract %slice3A_1100[0] : i32 from vector<1xi32>
        %slice3A_1102 = vector.extract_strided_slice %get3A_382 {offsets = [13], sizes = [1], strides = [1]} : vector<16xi32> to vector<1xi32>
        %squeeze3A_1103 = vector.extract %slice3A_1102[0] : i32 from vector<1xi32>
        %shift_right_arithmetic3A_1104 = arith.constant 7 : i32
        %shift_right_arithmetic3A_1105 = arith.shrsi %squeeze3A_1103, %shift_right_arithmetic3A_1104 : i32
        %shift_left3A_1106 = arith.constant 7 : i32
        %shift_left3A_1107 = arith.shli %shift_right_arithmetic3A_1105, %shift_left3A_1106 : i32
        %multiple_of3A_1108 = tpu.assume_multiple %shift_left3A_1107, 128 : i32
        %mul3A_1109 = arith.constant 32 : i32
        %mul3A_1110 = arith.muli %squeeze3A_1101, %mul3A_1109 : i32
        %multiple_of3A_1111 = tpu.assume_multiple %mul3A_1110, 32 : i32
        %dma_start3A_1112 = arith.constant 13 : i32
        %dma_start3A_1113 = arith.constant 0 : i32
        %dma_start3A_1114 = arith.constant 0 : i32
        %dma_start3A_1115 = tpu.memref_slice %arg8[%dma_start3A_1112, %dma_start3A_1113, %dma_start3A_1114] : memref<16x32x128xf32, #tpu.memory_space<vmem>> -> memref<1x32x128xf32, #tpu.memory_space<vmem>>
        %dma_start3A_1116 = tpu.memref_squeeze %dma_start3A_1115 : memref<1x32x128xf32, #tpu.memory_space<vmem>> -> memref<32x128xf32, #tpu.memory_space<vmem>>
        %dma_start3A_1117 = tpu.memref_slice %arg2[%multiple_of3A_1111, %multiple_of3A_1108] : memref<832x100000xf32, #tpu.memory_space<hbm>> -> memref<32x128xf32, #tpu.memory_space<hbm>>
        %dma_start3A_1118 = arith.constant 0 : i32
        %dma_start3A_1119 = arith.constant 0 : i32
        %dma_start3A_1120 = tpu.memref_slice %arg8[%dma_start3A_1112, %dma_start3A_1118, %dma_start3A_1119] : memref<16x32x128xf32, #tpu.memory_space<vmem>> -> memref<1x32x128xf32, #tpu.memory_space<vmem>>
        %dma_start3A_1121 = tpu.memref_squeeze %dma_start3A_1120 : memref<1x32x128xf32, #tpu.memory_space<vmem>> -> memref<32x128xf32, #tpu.memory_space<vmem>>
        %dma_start3A_1122 = tpu.memref_slice %arg2[%multiple_of3A_1111, %multiple_of3A_1108] : memref<832x100000xf32, #tpu.memory_space<hbm>> -> memref<32x128xf32, #tpu.memory_space<hbm>>
        tpu.enqueue_dma source(%dma_start3A_1122 : memref<32x128xf32, #tpu.memory_space<hbm>>) target(%dma_start3A_1121 : memref<32x128xf32, #tpu.memory_space<vmem>>) target_semaphore(%arg11 : memref<!tpu.dma_semaphore, #tpu.memory_space<semaphore_mem>>)
        %slice3A_1123 = vector.extract_strided_slice %get3A_380 {offsets = [14], sizes = [1], strides = [1]} : vector<16xi32> to vector<1xi32>
        %squeeze3A_1124 = vector.extract %slice3A_1123[0] : i32 from vector<1xi32>
        %slice3A_1125 = vector.extract_strided_slice %get3A_382 {offsets = [14], sizes = [1], strides = [1]} : vector<16xi32> to vector<1xi32>
        %squeeze3A_1126 = vector.extract %slice3A_1125[0] : i32 from vector<1xi32>
        %shift_right_arithmetic3A_1127 = arith.constant 7 : i32
        %shift_right_arithmetic3A_1128 = arith.shrsi %squeeze3A_1126, %shift_right_arithmetic3A_1127 : i32
        %shift_left3A_1129 = arith.constant 7 : i32
        %shift_left3A_1130 = arith.shli %shift_right_arithmetic3A_1128, %shift_left3A_1129 : i32
        %multiple_of3A_1131 = tpu.assume_multiple %shift_left3A_1130, 128 : i32
        %mul3A_1132 = arith.constant 32 : i32
        %mul3A_1133 = arith.muli %squeeze3A_1124, %mul3A_1132 : i32
        %multiple_of3A_1134 = tpu.assume_multiple %mul3A_1133, 32 : i32
        %dma_start3A_1135 = arith.constant 14 : i32
        %dma_start3A_1136 = arith.constant 0 : i32
        %dma_start3A_1137 = arith.constant 0 : i32
        %dma_start3A_1138 = tpu.memref_slice %arg8[%dma_start3A_1135, %dma_start3A_1136, %dma_start3A_1137] : memref<16x32x128xf32, #tpu.memory_space<vmem>> -> memref<1x32x128xf32, #tpu.memory_space<vmem>>
        %dma_start3A_1139 = tpu.memref_squeeze %dma_start3A_1138 : memref<1x32x128xf32, #tpu.memory_space<vmem>> -> memref<32x128xf32, #tpu.memory_space<vmem>>
        %dma_start3A_1140 = tpu.memref_slice %arg2[%multiple_of3A_1134, %multiple_of3A_1131] : memref<832x100000xf32, #tpu.memory_space<hbm>> -> memref<32x128xf32, #tpu.memory_space<hbm>>
        %dma_start3A_1141 = arith.constant 0 : i32
        %dma_start3A_1142 = arith.constant 0 : i32
        %dma_start3A_1143 = tpu.memref_slice %arg8[%dma_start3A_1135, %dma_start3A_1141, %dma_start3A_1142] : memref<16x32x128xf32, #tpu.memory_space<vmem>> -> memref<1x32x128xf32, #tpu.memory_space<vmem>>
        %dma_start3A_1144 = tpu.memref_squeeze %dma_start3A_1143 : memref<1x32x128xf32, #tpu.memory_space<vmem>> -> memref<32x128xf32, #tpu.memory_space<vmem>>
        %dma_start3A_1145 = tpu.memref_slice %arg2[%multiple_of3A_1134, %multiple_of3A_1131] : memref<832x100000xf32, #tpu.memory_space<hbm>> -> memref<32x128xf32, #tpu.memory_space<hbm>>
        tpu.enqueue_dma source(%dma_start3A_1145 : memref<32x128xf32, #tpu.memory_space<hbm>>) target(%dma_start3A_1144 : memref<32x128xf32, #tpu.memory_space<vmem>>) target_semaphore(%arg11 : memref<!tpu.dma_semaphore, #tpu.memory_space<semaphore_mem>>)
        %slice3A_1146 = vector.extract_strided_slice %get3A_380 {offsets = [15], sizes = [1], strides = [1]} : vector<16xi32> to vector<1xi32>
        %squeeze3A_1147 = vector.extract %slice3A_1146[0] : i32 from vector<1xi32>
        %slice3A_1148 = vector.extract_strided_slice %get3A_382 {offsets = [15], sizes = [1], strides = [1]} : vector<16xi32> to vector<1xi32>
        %squeeze3A_1149 = vector.extract %slice3A_1148[0] : i32 from vector<1xi32>
        %shift_right_arithmetic3A_1150 = arith.constant 7 : i32
        %shift_right_arithmetic3A_1151 = arith.shrsi %squeeze3A_1149, %shift_right_arithmetic3A_1150 : i32
        %shift_left3A_1152 = arith.constant 7 : i32
        %shift_left3A_1153 = arith.shli %shift_right_arithmetic3A_1151, %shift_left3A_1152 : i32
        %multiple_of3A_1154 = tpu.assume_multiple %shift_left3A_1153, 128 : i32
        %mul3A_1155 = arith.constant 32 : i32
        %mul3A_1156 = arith.muli %squeeze3A_1147, %mul3A_1155 : i32
        %multiple_of3A_1157 = tpu.assume_multiple %mul3A_1156, 32 : i32
        %dma_start3A_1158 = arith.constant 15 : i32
        %dma_start3A_1159 = arith.constant 0 : i32
        %dma_start3A_1160 = arith.constant 0 : i32
        %dma_start3A_1161 = tpu.memref_slice %arg8[%dma_start3A_1158, %dma_start3A_1159, %dma_start3A_1160] : memref<16x32x128xf32, #tpu.memory_space<vmem>> -> memref<1x32x128xf32, #tpu.memory_space<vmem>>
        %dma_start3A_1162 = tpu.memref_squeeze %dma_start3A_1161 : memref<1x32x128xf32, #tpu.memory_space<vmem>> -> memref<32x128xf32, #tpu.memory_space<vmem>>
        %dma_start3A_1163 = tpu.memref_slice %arg2[%multiple_of3A_1157, %multiple_of3A_1154] : memref<832x100000xf32, #tpu.memory_space<hbm>> -> memref<32x128xf32, #tpu.memory_space<hbm>>
        %dma_start3A_1164 = arith.constant 0 : i32
        %dma_start3A_1165 = arith.constant 0 : i32
        %dma_start3A_1166 = tpu.memref_slice %arg8[%dma_start3A_1158, %dma_start3A_1164, %dma_start3A_1165] : memref<16x32x128xf32, #tpu.memory_space<vmem>> -> memref<1x32x128xf32, #tpu.memory_space<vmem>>
        %dma_start3A_1167 = tpu.memref_squeeze %dma_start3A_1166 : memref<1x32x128xf32, #tpu.memory_space<vmem>> -> memref<32x128xf32, #tpu.memory_space<vmem>>
        %dma_start3A_1168 = tpu.memref_slice %arg2[%multiple_of3A_1157, %multiple_of3A_1154] : memref<832x100000xf32, #tpu.memory_space<hbm>> -> memref<32x128xf32, #tpu.memory_space<hbm>>
        tpu.enqueue_dma source(%dma_start3A_1168 : memref<32x128xf32, #tpu.memory_space<hbm>>) target(%dma_start3A_1167 : memref<32x128xf32, #tpu.memory_space<vmem>>) target_semaphore(%arg11 : memref<!tpu.dma_semaphore, #tpu.memory_space<semaphore_mem>>)
      } else {
      }
      %mul3A_971 = arith.constant 512 : i32
      %mul3A_972 = arith.muli %add3A, %mul3A_971 : i32
      %mul3A_973 = arith.constant 16 : i32
      %mul3A_974 = arith.muli %scan3A_371, %mul3A_973 : i32
      %add3A_975 = arith.addi %mul3A_972, %mul3A_974 : i32
      %multiple_of3A_976 = tpu.assume_multiple %add3A_975, 16 : i32
      %dma_start3A_977 = arith.constant 0 : i32
      %dma_start3A_978 = tpu.memref_slice %arg5[%multiple_of3A_976, %dma_start3A_977] : memref<16384x32xf32, #tpu.memory_space<hbm>> -> memref<16x32xf32, #tpu.memory_space<hbm>>
      %dma_start3A_979 = arith.constant 0 : i32
      %dma_start3A_980 = tpu.memref_slice %arg5[%multiple_of3A_976, %dma_start3A_979] : memref<16384x32xf32, #tpu.memory_space<hbm>> -> memref<16x32xf32, #tpu.memory_space<hbm>>
      tpu.enqueue_dma source(%arg9 : memref<16x32xf32, #tpu.memory_space<vmem>>) target(%dma_start3A_980 : memref<16x32xf32, #tpu.memory_space<hbm>>) target_semaphore(%arg12 : memref<!tpu.dma_semaphore, #tpu.memory_space<semaphore_mem>>)
      %dma_wait3A_981 = arith.constant 0 : i32
      %dma_wait3A_982 = tpu.memref_slice %arg5[%multiple_of3A_976, %dma_wait3A_981] : memref<16384x32xf32, #tpu.memory_space<hbm>> -> memref<16x32xf32, #tpu.memory_space<hbm>>
      %dma_wait3A_983 = arith.constant 0 : i32
      %dma_wait3A_984 = tpu.memref_slice %arg5[%multiple_of3A_976, %dma_wait3A_983] : memref<16384x32xf32, #tpu.memory_space<hbm>> -> memref<16x32xf32, #tpu.memory_space<hbm>>
      tpu.wait_dma2 semaphore(%arg12 : memref<!tpu.dma_semaphore, #tpu.memory_space<semaphore_mem>>) src(%arg9 : memref<16x32xf32, #tpu.memory_space<vmem>>) dst(%dma_wait3A_984 : memref<16x32xf32, #tpu.memory_space<hbm>>)
      scf.yield %get3A_380, %get3A_382 : vector<16xi32>, vector<16xi32>
    }
    %scan3A_370 = arith.constant 32 : i32
    return
  }
}

</mosaic_0001>

<sc_bundles>
// kernel: _gather.3.cloned.1.call-start
scs
__scs_entry_jumppad:
0x0: {  	(pc) =	sbr.rel $0x88, $3  }
0x1: {  	(tag) =	ssettag $0x0;
	lr =	simm.s32 $0x1  }
0x2: {  	[smem:$0x3F9E] =	sst lr;
	_ =	strace $0xD0000000  }
0x3: {  	_ = 	snop  }
0x4: {  	_ = 	snop  }
0x5: {  	_ = 	snop  }
0x6: {  	_ = 	snop  }
0x7: {  	_ = 	snop  }
__scs_overlays_trampoline_lowered:
0x8: {  	[smem:$0x3FAD] =	sst s0  }
0x9: {  	[smem:$0x3FAE] =	sst s1  }
0xa: {  	[smem:$0x3FAF] =	sst s2  }
0xb: {  	[smem:$0x3FB0] =	sst s3  }
0xc: {  	[smem:$0x3FB1] =	sst s4  }
0xd: {  	[smem:$0x3FB2] =	sst s5  }
0xe: {  	[smem:$0x3FB3] =	sst s6  }
0xf: {  	[smem:$0x3FB4] =	sst s7  }
0x10: {  	[smem:$0x3FB5] =	sst s8  }
0x11: {  	[smem:$0x3FB6] =	sst s9;
	s0 =	simm.s32 @!p0 $0x0  }
0x12: {  	s1 =	sld [smem:$0x3F9C];
	s0 =	simm.s32 @p0 $0x1  }
0x13: {  	[smem:$0x3FB7] =	sst s0;
	s0 =	simm.s32 @!p1 $0x0  }
0x14: {  	s2 =	sld [smem:$0x3F9B];
	s0 =	simm.s32 @p1 $0x1  }
0x15: {  	[smem:$0x3FB8] =	sst s0;
	s0 =	simm.s32 @!p2 $0x0  }
0x16: {  	s3 =	sld [smem:$0x3FDB];
	s0 =	simm.s32 @p2 $0x1  }
0x17: {  	s4 =	simm.s32 $0x1BF5;
	[smem:$0x3FBA] =	sst s0  }
0x18: {  	s0 =	sld [smem:$0x3F9D];
	_ =	swait.ge [sflag:s4], $0x0  }
0x19: {  	s7 =	sld [smem:$0x3F9E]  }
0x1a: {  	s8 =	sadd.s32 $0xFFFFE003, lr  }
0x1b: {  	s9 =	sadd.s32 $0xFFFFFEF7, lr;
	s5 =	simm.s32 $0xFFFFFFFF;
	p2 =	slt.u32 s8, $0xFFFFF086  }
0x1c: {  	p1 =	slt.u32 s9, $0xF7A;
	s5 =	simm.s32 @!p2 $0x0  }
0x1d: {  	s5 =	simm.s32 @p1 $0x1;
	p0 =	seq.s32 s7, s2  }
0x1e: {  	s7 =	smul.u32 @!p0 $0xF7A, s2;
	p2 =	seq.s32 @!p0 s5, $0x0  }
0x1f: {  	s9 =	smul.u32 $0xF7A, s1;
	s8 =	simm.s32 @!p0 $0x1BF5;
	p2 =	por !p2, p0  }
0x20: {  	[sflag:s8] =	ssyncset.s32 @!p0 $0xFFFFF086;
	s6 =	sadd.s32 @!p0 s3, s7;
	s7 =	simm.s32 @!p0 $0x108  }
0x21: {  	s3 =	sadd.s32 s3, s9;
	s6 =	sadd.s32 @!p0 $0x88, s6;
	s7 =	simm.s32 @p2 $0x1082  }
0x22: {  	[simem:s7], [sflag:s8] =	dma.local @!p0 [hbm:s6], $0xF7A  }
0x23: {  	s9 =	sor.u32 $0xD0000000, s2;
	s6 =	simm.s32 $0x108;
	_ =	swait.ge @!p0 [sflag:s8], $0x0  }
0x24: {  	s3 =	sadd.s32 $0x88, s3;
	s6 =	simm.s32 @!p1 $0x1082;
	[sflag:s4] =	ssyncset.s32 $0xFFFFF086  }
0x25: {  	[simem:s6], [sflag:s4] =	dma.local [hbm:s3], $0xF7A  }
0x26: {  	[smem:$0x3F9E] =	sst s1;
	(tag) =	ssettag s2;
	_ =	strace s9  }
0x27: {  	s1 =	sld [smem:$0x3FAE]  }
0x28: {  	s2 =	sld [smem:$0x3FAF]  }
0x29: {  	s4 =	sld [smem:$0x3FB1]  }
0x2a: {  	p0 =	seq.s32 s5, $0x0;
	s5 =	sld [smem:$0x3FB2]  }
0x2b: {  	s6 =	sld [smem:$0x3FB3]  }
0x2c: {  	s7 =	sld [smem:$0x3FB4]  }
0x2d: {  	s3 =	simm.s32 $0x108;
	s8 =	sld [smem:$0x3FB5]  }
0x2e: {  	s3 =	simm.s32 @!p0 $0x1082;
	s9 =	sld [smem:$0x3FB6]  }
0x2f: {  	lr =	sadd.s32 s0, s3;
	s0 =	sld [smem:$0x3FAD]  }
0x30: {  	s3 =	sld [smem:$0x3FB0]  }
0x31: {  	[smem:$0x3FB9] =	sst s10  }
0x32: {  	s10 =	sld [smem:$0x3FB7];
	_ =	sdelay $0x3  }
0x33: {  	p0 =	seq.s32 s10, $0x1;
	s10 =	sld [smem:$0x3FB9];
	_ =	sdelay $0x3  }
0x34: {  	[smem:$0x3FB9] =	sst s10  }
0x35: {  	s10 =	sld [smem:$0x3FB8];
	_ =	sdelay $0x3  }
0x36: {  	p1 =	seq.s32 s10, $0x1;
	s10 =	sld [smem:$0x3FB9];
	_ =	sdelay $0x3  }
0x37: {  	[smem:$0x3FB9] =	sst s10  }
0x38: {  	s10 =	sld [smem:$0x3FBA]  }
0x39: {  	_ = 	snop;
	(pc) =	sbr.ind lr, $3  }
0x3a: {  	_ = 	snop  }
0x3b: {  	_ = 	snop  }
0x3c: {  	p2 =	seq.s32 s10, $0x1;
	s10 =	sld [smem:$0x3FB9]  }
0x3d: {  	_ =	shalt  }
0x3e: {  	_ =	shalt  }
0x3f: {  	_ =	shalt  }
0x40: {  	_ =	shalt  }
0x41: {  	_ =	shalt  }
0x42: {  	_ =	shalt  }
0x43: {  	_ =	shalt  }
0x44: {  	_ =	shalt  }
0x45: {  	_ =	shalt  }
0x46: {  	_ =	shalt  }
0x47: {  	_ =	shalt  }
0x48: {  	_ =	shalt  }
0x49: {  	_ =	shalt  }
0x4a: {  	_ =	shalt  }
0x4b: {  	_ =	shalt  }
0x4c: {  	_ =	shalt  }
0x4d: {  	_ =	shalt  }
0x4e: {  	_ =	shalt  }
0x4f: {  	_ =	shalt  }
0x50: {  	_ =	shalt  }
0x51: {  	_ =	shalt  }
0x52: {  	_ =	shalt  }
0x53: {  	_ =	shalt  }
0x54: {  	_ =	shalt  }
0x55: {  	_ =	shalt  }
0x56: {  	_ =	shalt  }
0x57: {  	_ =	shalt  }
0x58: {  	_ =	shalt  }
0x59: {  	_ =	shalt  }
0x5a: {  	_ =	shalt  }
0x5b: {  	_ =	shalt  }
0x5c: {  	_ =	shalt  }
0x5d: {  	_ =	shalt  }
0x5e: {  	_ =	shalt  }
0x5f: {  	_ =	shalt  }
0x60: {  	_ =	shalt  }
0x61: {  	_ =	shalt  }
0x62: {  	_ =	shalt  }
0x63: {  	_ =	shalt  }
0x64: {  	_ =	shalt  }
0x65: {  	_ =	shalt  }
0x66: {  	_ =	shalt  }
0x67: {  	_ =	shalt  }
0x68: {  	_ =	shalt  }
0x69: {  	_ =	shalt  }
0x6a: {  	_ =	shalt  }
0x6b: {  	_ =	shalt  }
0x6c: {  	_ =	shalt  }
0x6d: {  	_ =	shalt  }
0x6e: {  	_ =	shalt  }
0x6f: {  	_ =	shalt  }
0x70: {  	_ =	shalt  }
0x71: {  	_ =	shalt  }
0x72: {  	_ =	shalt  }
0x73: {  	_ =	shalt  }
0x74: {  	_ =	shalt  }
0x75: {  	_ =	shalt  }
0x76: {  	_ =	shalt  }
0x77: {  	_ =	shalt  }
0x78: {  	_ =	shalt  }
0x79: {  	_ =	shalt  }
0x7a: {  	_ =	shalt  }
0x7b: {  	_ =	shalt  }
0x7c: {  	_ =	shalt  }
0x7d: {  	_ =	shalt  }
0x7e: {  	_ =	shalt  }
0x7f: {  	_ =	shalt  }
0x80: {  	_ =	shalt  }
0x81: {  	_ =	shalt  }
0x82: {  	_ =	shalt  }
0x83: {  	_ =	shalt  }
0x84: {  	_ =	shalt  }
0x85: {  	_ =	shalt  }
0x86: {  	_ =	shalt  }
0x87: {  	_ =	shalt  }
.Lfunc_end0:
.L_simem_size_0:
called_computation_lowered:
.L_overlay_start_0:
0x88: {  	s2 =	sld [smem:$0x3FD9]  }
0x89: {  	s3 =	sld [smem:$0x3FFE];
	_ =	sdelay $0x1  }
0x8a: {  	s1 =	srdreg.scid  }
0x8b: {  	s0 =	sand.u32 $0x1, s1  }
0x8c: {  	s17 =	sshll.u32 s0, $0xA;
	s2 =	sadd.s32 s3, s2  }
0x8d: {  	s2 =	sadd.s32 s2, s17  }
0x8e: {  	[smem:$0x3FC5] =	sst s2  }
0x8f: {  	_ = 	snop  }
0x90: {  	s2 =	sld [smem:$0x3FC9]  }
0x91: {  	s18 =	sld [smem:$0x3FD0];
	(tm) =	ssettm $0x1  }
0x92: {  	s4 =	sld [smem:$0x3FFB];
	_ =	sdelay $0x3  }
0x93: {  	_ =	strace s4  }
0x94: {  	s4 =	sld [smem:$0x3FFC];
	_ =	sdelay $0x3  }
0x95: {  	_ =	strace s4  }
0x96: {  	s4 =	sld [smem:$0x3FFD];
	_ =	sdelay $0x3  }
0x97: {  	_ =	strace s4  }
0x98: {  	_ =	strace $0x8FFFFFFF  }
0x99: {  	s19 =	sld [smem:$0x3FDB];
	_ =	sdelay $0x1  }
0x9a: {  	s5 =	simm.s32 $_scs_section_size  }
0x9b: {  	s6 =	simm.s32 $_size__tile_overlayer_lowered;
	s7 =	simm.s32 $_tile_overlayer_lowered  }
0x9c: {  	s22 =	simm.s32 $0x1BFF;
	s21 =	sshll.u32 s7, $0x1;
	s4 =	sadd.s32 s5, s19  }
0x9d: {  	s8 =	simm.s32 $0x0;
	s20 =	sshll.u32 s6, $0x1;
	s6 =	sadd.s32 s21, s4  }
0x9e: {  	[timem:s8], [sflag:s22] =	dma.local [hbm:s6], s20  }
0x9f: {  	_ =	swait.ge [sflag:s22], s20  }
0xa0: {  	s5 =	ssub.s32 $0x0, s20;
	[sflag:s22] =	ssyncset.done $0x0  }
0xa1: {  	[sflag:s22] =	ssyncadd.s32 s5;
	_ =	sdelay $0x1  }
0xa2: {  	s23 =	simm.s32 $0x1B8B  }
0xa3: {  	_ =	swait.ge [sflag:s23], $0x1  }
0xa4: {  	[sflag:s23] =	ssyncset.done $0x0  }
0xa5: {  	s25 =	simm.s32 $0x1B8E;
	s24 =	sld [smem:$0x3FFE];
	[sflag:s23] =	ssyncadd.s32 $0xFFFFFFFF  }
0xa6: {  	s26 =	simm.s32 $execute0_lowered;
	[smem:$0x3FD2] =	sst s25  }
0xa7: {  	s6 =	sshll.u32 s26, $0x1;
	_ =	strace $0x80000046;
	[dreg:$0x1] =	wrdreg $0xFFFFFFFF  }
0xa8: {  	s28 =	simm.s32 $_size_execute0_lowered;
	s4 =	sadd.s32 s4, s6;
	[dreg:$0x0] =	wrdreg $0x0  }
0xa9: {  	s6 =	sshll.u32 s28, $0x1;
	[dreg:$0x2] =	wrdreg s4  }
0xaa: {  	[dreg:$0x3] =	wrdreg s6  }
0xab: {  	[dreg:$0x4] =	wrdreg $0xC0  }
0xac: {  	_ =	task [dreg:s8], $0x5FFFF  }
0xad: {  	[dreg:$0x1] =	wrdreg $0xFFFFFFFF  }
0xae: {  	[dreg:$0x0] =	wrdreg $0x60  }
0xaf: {  	[dreg:$0x2] =	wrdreg s2  }
0xb0: {  	[dreg:$0x3] =	wrdreg s18  }
0xb1: {  	[dreg:$0x4] =	wrdreg s24  }
0xb2: {  	[dreg:$0x5] =	wrdreg $0x9  }
0xb3: {  	_ =	task.clear_ibuf [dreg:s8], $0x6FFFF;
	_ =	strace $0x90000046  }
0xb4: {  	s29 =	simm.s32 $0x9;
	_ =	strace $0x80000048  }
0xb5: {  	_ =	swait.ge [sflag:s29], $0x1  }
0xb6: {  	[sflag:s29] =	ssyncadd.s32 $0xFFFFFFFF  }
0xb7: {  	_ =	strace $0x90000048  }
0xb8: {  	_ =	sfence  }
0xb9: {  	s30 =	sld [smem:$0x0];
	_ =	sdelay $0x2  }
0xba: {  	s31 =	sshll.u32 s1, $0xD;
	s1 =	sshrl.u32 s1, $0x2  }
0xbb: {  	s3 =	sand.u32 $0x4000, s31;
	s1 =	sadd.s32 s1, s30  }
0xbc: {  	s0 =	sor.u32 s3, s0;
	s1 =	sshll.u32 s1, $0x11  }
0xbd: {  	s0 =	sor.u32 s1, s0  }
0xbe: {  	s0 =	sadd.s32 $0x8F2B, s0  }
0xbf: {  	[sflag:s0] =	ssyncadd.remote.s32 $0x1  }
0xc0: {  	_ =	sfence.sel $0xFFFF  }
0xc1: {  	[dreg:$0x0] =	wrdreg $0xFFFFFFFF;
	(pc) =	sbr.abs _section_cstart, $3  }
0xc2: {  	[dreg:$0x1] =	wrdreg $0xFFFFFFFF  }
0xc3: {  	_ =	task.clear_ibuf [dreg:s8], $0x2FFFF;
	_ =	strace $0x9FFFFFFF  }
0xc4: {  	(tm) =	ssettm $0x7FFFFFFF  }
0xc5: {  	_ =	shalt  }
tec
execute0_lowered:
.L_overlay_start_1:
0x0: {  	(tag) =	ssettag $0x1  }
0x1: {  	s2 =	rddreg [dreg:$0x0]  }
0x2: {  	s0 =	rddreg [dreg:$0x1];
	s1 =	srdreg.scid  }
0x3: {  	s4 =	rddreg [dreg:$0x2];
	s8 =	stileid.u32;
	s3 =	simm.s32 $0x0  }
0x4: {  	s10 =	simm.s32 $0x4;
	s12 =	simm.s32 $0xC3800;
	s13 =	simm.s32 $0x1400  }
0x5: {  	s14 =	simm.s32 $0x2400;
	s15 =	simm.s32 $0x3400;
	s16 =	simm.s32 $0x4400  }
0x6: {  	v0 =	vlaneseq.u32;
	s17 =	simm.s32 $0x5400;
	s18 =	simm.s32 $0x6400;
	s19 =	simm.s32 $0x7400  }
0x7: {  	s20 =	simm.s32 $0x8400;
	s21 =	simm.s32 $0x9400;
	s28 =	simm.s32 $0xF400;
	v0 =	vmul.u32 $0x80, v0  }
0x8: {  	s29 =	simm.s32 $0x1;
	s30 =	simm.s32 $0x2;
	s31 =	simm.s32 $0x10400  }
0x9: {  	s1 =	sand.u32 $0x1, s1;
	s5 =	sshll.u32 s8, $0x5;
	s7 =	sshll.u32 s8, $0x7;
	v1 =	vor.u32 $0x800, v0  }
0xa: {  	[smem:$0x7FF] =	sst s3;
	s8 =	sshll.u32 s8, $0xE;
	s6 =	sshll.u32 s1, $0x4;
	v2 =	vor.u32 $0x1000, v0;
	v3 =	vor.u32 $0x1800, v0;
	v4 =	vor.u32 $0x2000, v0  }
0xb: {  	_ =	strace $0x80000047;
	s22 =	ssub.s32 $0x2, s1;
	s8 =	sadd.s32 s8, s4;
	v5 =	vor.u32 $0x2800, v0;
	v6 =	vor.u32 $0x3000, v0;
	v7 =	vor.u32 $0x3800, v0  }
0xc: {  	s1 =	sshll.u32 s1, $0xD;
	s5 =	sor.u32 s6, s5;
	s9 =	sshrl.u32 s22, $0x1;
	v8 =	vor.u32 $0x4000, v0;
	v9 =	vor.u32 $0x4800, v0;
	v10 =	vor.u32 $0x5000, v0  }
0xd: {  	s25 =	sadd.s32 s1, s8;
	v11 =	vor.u32 $0x5800, v0;
	v12 =	vor.u32 $0x6000, v0;
	v13 =	vor.u32 $0x6800, v0;
	s1 =	simm.s32 $0x0;
	s5 =	sor.u32 s7, s5  }
0xe: {  	v14 =	vor.u32 $0x7000, v0;
	v15 =	vor.u32 $0x7800, v0;
	v16 =	vor.u32 $0x8000, v0;
	s6 =	ssub.s32 s22, s9;
	s8 =	sadd.s32 $0xC00, s25;
	s9 =	simm.s32 $0x400  }
.Ltmp0:
0xf: {  	v17 =	vor.u32 $0x8800, v0;
	v18 =	vor.u32 $0x9000, v0;
	v19 =	vor.u32 $0x9800, v0;
	s22 =	simm.s32 $0xA400;
	s5 =	sand.u32 $0x670, s5;
	(pc) =	sbr.rel .LBB2_1-.Ltmp0, $4  }
0x10: {  	v20 =	vor.u32 $0xA000, v0;
	v21 =	vor.u32 $0xA800, v0;
	v22 =	vor.u32 $0xB000, v0;
	s25 =	simm.s32 $0xD400;
	s26 =	smax.u32 s6, $0x1;
	s23 =	sadd.s32 s5, s4  }
0x11: {  	v23 =	vor.u32 $0xB800, v0;
	v24 =	vor.u32 $0xC000, v0;
	v25 =	vor.u32 $0xC800, v0;
	s0 =	sadd.s32 s0, s5;
	[dreg:$0x6] =	wrdreg s26;
	s26 =	simm.s32 $0xE400  }
0x12: {  	v26 =	vor.u32 $0xD000, v0;
	v27 =	vor.u32 $0xD800, v0;
	v28 =	vor.u32 $0xE000, v0;
	[dreg:$0x4] =	wrdreg s0;
	s24 =	sadd.s32 $0x400, s23;
	s23 =	simm.s32 $0xB400  }
0x13: {  	v29 =	vor.u32 $0xE800, v0;
	v30 =	vor.u32 $0xF000, v0;
	v31 =	vor.u32 $0xF800, v0;
	s0 =	simm.s32 $0x3;
	[dreg:$0x5] =	wrdreg s24;
	s24 =	simm.s32 $0xC400  }
.LBB2_7:
0x14: {  	s1 =	sadd.s32 $0x1, s1;
	s4 =	rddreg [dreg:$0x6]  }
0x15: {  	p0 =	sne.s32 s1, s4  }
.Ltmp1:
0x16: {  	_ = 	snop;
	(pc) =	sbr.rel @!p0 .LBB2_8-.Ltmp1, $1  }
0x17: {  	_ =	sdelay $0x3  }
.LBB2_1:
0x18: {  	s4 =	rddreg [dreg:$0x4];
	s5 =	simm.s32 $0x80  }
0x19: {  	[tilespmem:s3], [sflag:$0x4] =	stream.strided.gather [hbm4b:s4+s5], $0x200, s9, s5, $0x38;
	[tilespmem:$0x10C00] =	vst v63  }
0x1a: {  	_ =	swait.ge [sflag:s10], $0x200  }
0x1b: {  	[sflag:s10] =	ssyncset.done $0x0  }
0x1c: {  	s6 =	simm.s32 $0x200;
	s11 =	rddreg [dreg:$0x5];
	[sflag:s10] =	ssyncadd.s32 $0xFFFFFE00  }
0x1d: {  	[tilespmem:s6], [sflag:$0x4] =	stream.strided.gather [hbm4b:s11+s5], $0x200, s9, s5, $0x38;
	[tilespmem:$0x10C00] =	vst v63  }
0x1e: {  	_ =	swait.ge [sflag:s10], $0x200  }
0x1f: {  	[sflag:s10] =	ssyncset.done $0x0  }
0x20: {  	[sflag:s10] =	ssyncadd.s32 $0xFFFFFE00  }
0x21: {  	v33 =	vld [tilespmem:$0x0];
	_ =	sdelay $0x3  }
0x22: {  	v32 =	vld [tilespmem:$0x200]  }
0x23: {  	v33 =	vmul.u32 $0x30E000, v33;
	_ =	sdelay $0x1  }
0x24: {  	(v2sf) =	vpush v33, $0x1;
	_ =	sdelay $0x1  }
0x25: {  	v34 =	vshll.u32 v32, $0x3;
	(v2sf) =	vpush v33, $0x0  }
0x26: {  	(v2sf) =	vpush v34, $0x0;
	_ =	sdelay $0x3  }
0x27: {  	(v2sf) =	vpush v34, $0x1;
	_ =	sdelay $0x6  }
0x28: {  	(v2sf) =	vpush v33, $0x3  }
0x29: {  	s7 =	spop (v2sf);
	(v2sf) =	vpush v33, $0x2;
	_ =	sdelay $0x1  }
0x2a: {  	s11 =	spop (v2sf);
	(v2sf) =	vpush v34, $0x2  }
0x2b: {  	s6 =	spop (v2sf)  }
0x2c: {  	s4 =	sand.u32 $0x7FFFFC00, s6  }
0x2d: {  	s4 =	sadd.s32 s4, s11  }
0x2e: {  	(v2sf) =	vpush v34, $0x3;
	s4 =	sshrl.u32 s4, $0x3  }
0x2f: {  	s11 =	spop (v2sf);
	s4 =	sadd.s32 s2, s4  }
0x30: {  	[tilespmem:s9], [sflag:$0x1] =	stream.strided.gather [hbm4b:s4+s9], $0x1000, s12, s9, $0x38;
	[tilespmem:$0x10C00] =	vst v63  }
0x31: {  	s4 =	sand.u32 $0x7FFFFC00, s11  }
0x32: {  	s4 =	sadd.s32 s4, s7  }
0x33: {  	s4 =	sshrl.u32 s4, $0x3  }
0x34: {  	s4 =	sadd.s32 s2, s4  }
0x35: {  	(v2sf) =	vpush v33, $0x5;
	[tilespmem:s13], [sflag:$0x1] =	stream.strided.gather [hbm4b:s4+s9], $0x1000, s12, s9, $0x38;
	[tilespmem:$0x10C00] =	vst v63  }
0x36: {  	(v2sf) =	vpush v33, $0x4;
	s4 =	spop (v2sf)  }
0x37: {  	s5 =	spop (v2sf);
	(v2sf) =	vpush v34, $0x4;
	_ =	sdelay $0x1  }
0x38: {  	s6 =	spop (v2sf)  }
0x39: {  	s11 =	sand.u32 $0x7FFFFC00, s6  }
0x3a: {  	(v2sf) =	vpush v34, $0x5;
	s7 =	sadd.s32 s11, s5  }
0x3b: {  	s7 =	sshrl.u32 s7, $0x3  }
0x3c: {  	s11 =	spop (v2sf);
	s7 =	sadd.s32 s2, s7  }
0x3d: {  	[tilespmem:s14], [sflag:$0x1] =	stream.strided.gather [hbm4b:s7+s9], $0x1000, s12, s9, $0x38;
	[tilespmem:$0x10C00] =	vst v63  }
0x3e: {  	s7 =	sand.u32 $0x7FFFFC00, s11  }
0x3f: {  	s4 =	sadd.s32 s7, s4  }
0x40: {  	s4 =	sshrl.u32 s4, $0x3  }
0x41: {  	(v2sf) =	vpush v33, $0x7;
	s4 =	sadd.s32 s2, s4  }
0x42: {  	[tilespmem:s15], [sflag:$0x1] =	stream.strided.gather [hbm4b:s4+s9], $0x1000, s12, s9, $0x38;
	[tilespmem:$0x10C00] =	vst v63  }
0x43: {  	s4 =	spop (v2sf);
	(v2sf) =	vpush v33, $0x6  }
0x44: {  	s5 =	spop (v2sf);
	(v2sf) =	vpush v34, $0x6  }
0x45: {  	s6 =	spop (v2sf)  }
0x46: {  	s11 =	sand.u32 $0x7FFFFC00, s6  }
0x47: {  	s7 =	sadd.s32 s11, s5  }
0x48: {  	(v2sf) =	vpush v34, $0x7;
	s7 =	sshrl.u32 s7, $0x3  }
0x49: {  	s11 =	spop (v2sf);
	s7 =	sadd.s32 s2, s7  }
0x4a: {  	[tilespmem:s16], [sflag:$0x1] =	stream.strided.gather [hbm4b:s7+s9], $0x1000, s12, s9, $0x38;
	[tilespmem:$0x10C00] =	vst v63  }
0x4b: {  	s7 =	sand.u32 $0x7FFFFC00, s11  }
0x4c: {  	s4 =	sadd.s32 s7, s4  }
0x4d: {  	s4 =	sshrl.u32 s4, $0x3  }
0x4e: {  	s4 =	sadd.s32 s2, s4  }
0x4f: {  	(v2sf) =	vpush v33, $0x9;
	[tilespmem:s17], [sflag:$0x1] =	stream.strided.gather [hbm4b:s4+s9], $0x1000, s12, s9, $0x38;
	[tilespmem:$0x10C00] =	vst v63  }
0x50: {  	s4 =	spop (v2sf);
	(v2sf) =	vpush v33, $0x8;
	_ =	sdelay $0x1  }
0x51: {  	s5 =	spop (v2sf);
	(v2sf) =	vpush v34, $0x8  }
0x52: {  	s6 =	spop (v2sf)  }
0x53: {  	s11 =	sand.u32 $0x7FFFFC00, s6  }
0x54: {  	s7 =	sadd.s32 s11, s5  }
0x55: {  	(v2sf) =	vpush v34, $0x9;
	s7 =	sshrl.u32 s7, $0x3  }
0x56: {  	s7 =	sadd.s32 s2, s7;
	s11 =	spop (v2sf)  }
0x57: {  	[tilespmem:s18], [sflag:$0x1] =	stream.strided.gather [hbm4b:s7+s9], $0x1000, s12, s9, $0x38;
	[tilespmem:$0x10C00] =	vst v63  }
0x58: {  	s7 =	sand.u32 $0x7FFFFC00, s11  }
0x59: {  	s4 =	sadd.s32 s7, s4  }
0x5a: {  	s4 =	sshrl.u32 s4, $0x3  }
0x5b: {  	s4 =	sadd.s32 s2, s4  }
0x5c: {  	(v2sf) =	vpush v33, $0xB;
	[tilespmem:s19], [sflag:$0x1] =	stream.strided.gather [hbm4b:s4+s9], $0x1000, s12, s9, $0x38;
	[tilespmem:$0x10C00] =	vst v63  }
0x5d: {  	s4 =	spop (v2sf);
	(v2sf) =	vpush v33, $0xA  }
0x5e: {  	s5 =	spop (v2sf);
	(v2sf) =	vpush v34, $0xA;
	_ =	sdelay $0x1  }
0x5f: {  	s6 =	spop (v2sf)  }
0x60: {  	s11 =	sand.u32 $0x7FFFFC00, s6  }
0x61: {  	(v2sf) =	vpush v34, $0xB;
	s7 =	sadd.s32 s11, s5  }
0x62: {  	s7 =	sshrl.u32 s7, $0x3  }
0x63: {  	s11 =	spop (v2sf);
	s7 =	sadd.s32 s2, s7  }
0x64: {  	(v2sf) =	vpush v33, $0xD;
	[tilespmem:s20], [sflag:$0x2] =	stream.strided.gather [hbm4b:s7+s9], $0x1000, s12, s9, $0x38;
	[tilespmem:$0x10C00] =	vst v63  }
0x65: {  	(v2sf) =	vpush v33, $0xC;
	s7 =	sand.u32 $0x7FFFFC00, s11  }
0x66: {  	(v2sf) =	vpush v34, $0xC;
	s4 =	sadd.s32 s7, s4  }
0x67: {  	s4 =	sshrl.u32 s4, $0x3  }
0x68: {  	s4 =	sadd.s32 s2, s4  }
0x69: {  	[tilespmem:s21], [sflag:$0x2] =	stream.strided.gather [hbm4b:s4+s9], $0x1000, s12, s9, $0x38;
	[tilespmem:$0x10C00] =	vst v63  }
0x6a: {  	s4 =	spop (v2sf);
	(v2sf) =	vpush v34, $0xD  }
0x6b: {  	s5 =	spop (v2sf)  }
0x6c: {  	s6 =	spop (v2sf)  }
0x6d: {  	s11 =	sand.u32 $0x7FFFFC00, s6  }
0x6e: {  	(v2sf) =	vpush v33, $0xF;
	s7 =	sadd.s32 s11, s5  }
0x6f: {  	(v2sf) =	vpush v33, $0xE;
	s7 =	sshrl.u32 s7, $0x3  }
0x70: {  	s5 =	spop (v2sf);
	s7 =	sadd.s32 s2, s7  }
0x71: {  	(v2sf) =	vpush v34, $0xE;
	[tilespmem:s22], [sflag:$0x2] =	stream.strided.gather [hbm4b:s7+s9], $0x1000, s12, s9, $0x38;
	[tilespmem:$0x10C00] =	vst v63  }
0x72: {  	s7 =	sand.u32 $0x7FFFFC00, s5  }
0x73: {  	s4 =	sadd.s32 s7, s4;
	s7 =	spop (v2sf)  }
0x74: {  	s4 =	sshrl.u32 s4, $0x3;
	s6 =	spop (v2sf)  }
0x75: {  	(v2sf) =	vpush v34, $0xF;
	s4 =	sadd.s32 s2, s4;
	s5 =	spop (v2sf)  }
0x76: {  	[tilespmem:s23], [sflag:$0x2] =	stream.strided.gather [hbm4b:s4+s9], $0x1000, s12, s9, $0x38;
	[tilespmem:$0x10C00] =	vst v63  }
0x77: {  	s4 =	sand.u32 $0x7FFFFC00, s5  }
0x78: {  	s4 =	sadd.s32 s4, s6  }
0x79: {  	s6 =	spop (v2sf);
	s4 =	sshrl.u32 s4, $0x3  }
0x7a: {  	s11 =	sand.u32 $0x7FFFFC00, s6;
	s4 =	sadd.s32 s2, s4  }
0x7b: {  	[tilespmem:s24], [sflag:$0x2] =	stream.strided.gather [hbm4b:s4+s9], $0x1000, s12, s9, $0x38;
	[tilespmem:$0x10C00] =	vst v63  }
0x7c: {  	s4 =	sadd.s32 s11, s7  }
0x7d: {  	s7 =	spop (v2sf);
	s4 =	sshrl.u32 s4, $0x3  }
0x7e: {  	s5 =	spop (v2sf);
	s4 =	sadd.s32 s2, s4  }
0x7f: {  	[tilespmem:s25], [sflag:$0x2] =	stream.strided.gather [hbm4b:s4+s9], $0x1000, s12, s9, $0x38;
	[tilespmem:$0x10C00] =	vst v63  }
0x80: {  	s6 =	spop (v2sf)  }
0x81: {  	s4 =	sand.u32 $0x7FFFFC00, s6  }
0x82: {  	s4 =	sadd.s32 s4, s5  }
0x83: {  	s4 =	sshrl.u32 s4, $0x3  }
0x84: {  	s4 =	sadd.s32 s2, s4;
	s11 =	spop (v2sf)  }
0x85: {  	[tilespmem:s26], [sflag:$0x2] =	stream.strided.gather [hbm4b:s4+s9], $0x1000, s12, s9, $0x38;
	[tilespmem:$0x10C00] =	vst v63  }
.Ltmp2:
0x86: {  	s4 =	sand.u32 $0x7FFFFC00, s11;
	(pc) =	sbr.rel .LBB2_2-.Ltmp2, $4  }
0x87: {  	s4 =	sadd.s32 s4, s7  }
0x88: {  	s4 =	sshrl.u32 s4, $0x3  }
0x89: {  	s11 =	simm.s32 $0xFFFFFFE0;
	s7 =	smov.u32 s8;
	s4 =	sadd.s32 s2, s4  }
0x8a: {  	[tilespmem:s28], [sflag:$0x2] =	stream.strided.gather [hbm4b:s4+s9], $0x1000, s12, s9, $0x38;
	[tilespmem:$0x10C00] =	vst v63  }
.LBB2_6:
0x8b: {  	s11 =	sadd.s32 $0x1, s11  }
0x8c: {  	p0 =	seq.s32 s11, $0x0  }
.Ltmp3:
0x8d: {  	_ = 	snop;
	(pc) =	sbr.rel @p0 .LBB2_7-.Ltmp3, $4  }
0x8e: {  	[hbm4b:s7+s3] =	stream.linear.scatter [tilespmem:s31], [sflag:$0x3], $0x800, $0x38;
	[tilespmem:$0x10C00] =	vst v63  }
0x8f: {  	_ =	swait.ge [sflag:s0], $0x800  }
0x90: {  	[sflag:s0] =	ssyncset.done $0x0  }
0x91: {  	s7 =	sadd.s32 $0x100, s7;
	[sflag:s0] =	ssyncadd.s32 $0xFFFFF800  }
.LBB2_2:
0x92: {  	s4 =	sadd.s32 $0x21, s11  }
0x93: {  	s4 =	smin.u32 s4, $0x1F  }
0x94: {  	s4 =	sshll.u32 s4, $0x4  }
0x95: {  	v33 =	vld [tilespmem:s4+$0x0]  }
0x96: {  	v34 =	vmov v32;
	v32 =	vld [tilespmem:s4+$0x200];
	_ =	swait.ge [sflag:s29], $0x1000  }
0x97: {  	[sflag:s29] =	ssyncset.done $0x0  }
0x98: {  	[sflag:s29] =	ssyncadd.s32 $0xFFFFF000  }
0x99: {  	_ =	swait.ge [sflag:s29], $0x1000  }
0x9a: {  	[sflag:s29] =	ssyncset.done $0x0  }
0x9b: {  	[sflag:s29] =	ssyncadd.s32 $0xFFFFF000  }
0x9c: {  	_ =	swait.ge [sflag:s29], $0x1000  }
0x9d: {  	[sflag:s29] =	ssyncset.done $0x0  }
0x9e: {  	[sflag:s29] =	ssyncadd.s32 $0xFFFFF000  }
0x9f: {  	_ =	swait.ge [sflag:s29], $0x1000  }
0xa0: {  	[sflag:s29] =	ssyncset.done $0x0  }
0xa1: {  	[sflag:s29] =	ssyncadd.s32 $0xFFFFF000  }
0xa2: {  	_ =	swait.ge [sflag:s29], $0x1000  }
0xa3: {  	[sflag:s29] =	ssyncset.done $0x0  }
0xa4: {  	[sflag:s29] =	ssyncadd.s32 $0xFFFFF000  }
0xa5: {  	_ =	swait.ge [sflag:s29], $0x1000  }
0xa6: {  	v34 =	vand.u32 $0x7F, v34;
	[sflag:s29] =	ssyncset.done $0x0  }
0xa7: {  	v35 =	vbroadcast v34, $0x0;
	[sflag:s29] =	ssyncadd.s32 $0xFFFFF000  }
0xa8: {  	_ =	swait.ge [sflag:s29], $0x1000  }
0xa9: {  	v36 =	vor.u32 v0, v35;
	[sflag:s29] =	ssyncset.done $0x0  }
0xaa: {  	[sflag:s29] =	ssyncadd.s32 $0xFFFFF000  }
0xab: {  	_ =	swait.ge [sflag:s29], $0x1000  }
0xac: {  	[sflag:s29] =	ssyncset.done $0x0  }
0xad: {  	[sflag:s29] =	ssyncadd.s32 $0xFFFFF000  }
0xae: {  	v36 =	vld.idx.msk [tilespmem:v36+s9+$0x0], $0xffff  }
0xaf: {  	v35 =	vor.u32 v1, v35;
	_ =	sdelay $0x3  }
0xb0: {  	v51 =	vbroadcast v34, $0x1;
	[tilespmem:$0x10400] =	vst v36  }
0xb1: {  	v35 =	vld.idx.msk [tilespmem:v35+s9+$0x0], $0xffff  }
0xb2: {  	v37 =	vor.u32 v2, v51;
	_ =	sdelay $0x3  }
0xb3: {  	[tilespmem:$0x10410] =	vst v35  }
0xb4: {  	v35 =	vld.idx.msk [tilespmem:v37+s9+$0x0], $0xffff  }
0xb5: {  	v36 =	vor.u32 v3, v51;
	_ =	sdelay $0x3  }
0xb6: {  	v52 =	vbroadcast v34, $0x2;
	[tilespmem:$0x10480] =	vst v35  }
0xb7: {  	v36 =	vld.idx.msk [tilespmem:v36+s9+$0x0], $0xffff  }
0xb8: {  	v53 =	vor.u32 v4, v52;
	_ =	sdelay $0x3  }
0xb9: {  	[tilespmem:$0x10490] =	vst v36  }
0xba: {  	v36 =	vld.idx.msk [tilespmem:v53+s9+$0x0], $0xffff  }
0xbb: {  	v35 =	vor.u32 v5, v52;
	_ =	sdelay $0x3  }
0xbc: {  	v54 =	vbroadcast v34, $0x3;
	[tilespmem:$0x10500] =	vst v36  }
0xbd: {  	v35 =	vld.idx.msk [tilespmem:v35+s9+$0x0], $0xffff  }
0xbe: {  	v55 =	vor.u32 v6, v54;
	_ =	sdelay $0x3  }
0xbf: {  	[tilespmem:$0x10510] =	vst v35  }
0xc0: {  	v35 =	vld.idx.msk [tilespmem:v55+s9+$0x0], $0xffff  }
0xc1: {  	v36 =	vor.u32 v7, v54;
	_ =	sdelay $0x3  }
0xc2: {  	v56 =	vbroadcast v34, $0x4;
	[tilespmem:$0x10580] =	vst v35  }
0xc3: {  	v36 =	vld.idx.msk [tilespmem:v36+s9+$0x0], $0xffff  }
0xc4: {  	v57 =	vor.u32 v8, v56;
	_ =	sdelay $0x3  }
0xc5: {  	[tilespmem:$0x10590] =	vst v36  }
0xc6: {  	v36 =	vld.idx.msk [tilespmem:v57+s9+$0x0], $0xffff  }
0xc7: {  	v35 =	vor.u32 v9, v56;
	_ =	sdelay $0x3  }
0xc8: {  	v58 =	vbroadcast v34, $0x5;
	[tilespmem:$0x10600] =	vst v36  }
0xc9: {  	v35 =	vld.idx.msk [tilespmem:v35+s9+$0x0], $0xffff  }
0xca: {  	v59 =	vor.u32 v10, v58;
	_ =	sdelay $0x3  }
0xcb: {  	[tilespmem:$0x10610] =	vst v35  }
0xcc: {  	v35 =	vld.idx.msk [tilespmem:v59+s9+$0x0], $0xffff  }
0xcd: {  	v36 =	vor.u32 v11, v58;
	_ =	sdelay $0x3  }
0xce: {  	v60 =	vbroadcast v34, $0x6;
	[tilespmem:$0x10680] =	vst v35  }
0xcf: {  	v36 =	vld.idx.msk [tilespmem:v36+s9+$0x0], $0xffff  }
0xd0: {  	v61 =	vor.u32 v12, v60;
	_ =	sdelay $0x3  }
0xd1: {  	[tilespmem:$0x10690] =	vst v36  }
0xd2: {  	v36 =	vld.idx.msk [tilespmem:v61+s9+$0x0], $0xffff  }
0xd3: {  	v35 =	vor.u32 v13, v60;
	_ =	sdelay $0x3  }
0xd4: {  	v62 =	vbroadcast v34, $0x7;
	[tilespmem:$0x10700] =	vst v36  }
0xd5: {  	v35 =	vld.idx.msk [tilespmem:v35+s9+$0x0], $0xffff  }
0xd6: {  	v63 =	vor.u32 v14, v62;
	_ =	sdelay $0x3  }
0xd7: {  	[tilespmem:$0x10710] =	vst v35  }
0xd8: {  	v35 =	vld.idx.msk [tilespmem:v63+s9+$0x0], $0xffff  }
0xd9: {  	v36 =	vor.u32 v15, v62;
	_ =	sdelay $0x3  }
0xda: {  	[tilespmem:$0x10780] =	vst v35  }
0xdb: {  	p0 =	seq.s32 s11, $0xFFFFFFFF;
	v35 =	vld.idx.msk [tilespmem:v36+s9+$0x0], $0xffff  }
.Ltmp4:
0xdc: {  	_ = 	snop;
	(pc) =	sbr.rel @p0 .LBB2_4-.Ltmp4, $2  }
0xdd: {  	_ =	sdelay $0x2  }
0xde: {  	[tilespmem:$0x10790] =	vst v35  }
0xdf: {  	v35 =	vmul.u32 $0x30E000, v33;
	_ =	sdelay $0x1  }
0xe0: {  	(v2sf) =	vpush v35, $0x1  }
0xe1: {  	(v2sf) =	vpush v35, $0x0  }
0xe2: {  	v36 =	vshll.u32 v32, $0x3  }
0xe3: {  	(v2sf) =	vpush v36, $0x0;
	_ =	sdelay $0x3  }
0xe4: {  	(v2sf) =	vpush v36, $0x1;
	_ =	sdelay $0x6  }
0xe5: {  	(v2sf) =	vpush v35, $0x3  }
0xe6: {  	s4 =	spop (v2sf);
	(v2sf) =	vpush v35, $0x2  }
0xe7: {  	s5 =	spop (v2sf);
	(v2sf) =	vpush v36, $0x2;
	_ =	sdelay $0x1  }
0xe8: {  	s6 =	spop (v2sf)  }
0xe9: {  	s6 =	sand.u32 $0x7FFFFC00, s6  }
0xea: {  	(v2sf) =	vpush v36, $0x3;
	s5 =	sadd.s32 s6, s5  }
0xeb: {  	s5 =	sshrl.u32 s5, $0x3  }
0xec: {  	s6 =	spop (v2sf);
	s5 =	sadd.s32 s2, s5  }
0xed: {  	[tilespmem:s9], [sflag:$0x1] =	stream.strided.gather [hbm4b:s5+s9], $0x1000, s12, s9, $0x38;
	[tilespmem:$0x10C00] =	vst v63  }
0xee: {  	(v2sf) =	vpush v35, $0x5;
	s5 =	sand.u32 $0x7FFFFC00, s6  }
0xef: {  	(v2sf) =	vpush v35, $0x4;
	s4 =	sadd.s32 s5, s4  }
0xf0: {  	s4 =	sshrl.u32 s4, $0x3  }
0xf1: {  	(v2sf) =	vpush v36, $0x4;
	s4 =	sadd.s32 s2, s4  }
0xf2: {  	[tilespmem:s13], [sflag:$0x1] =	stream.strided.gather [hbm4b:s4+s9], $0x1000, s12, s9, $0x38;
	[tilespmem:$0x10C00] =	vst v63  }
0xf3: {  	s4 =	spop (v2sf)  }
0xf4: {  	s5 =	spop (v2sf)  }
0xf5: {  	(v2sf) =	vpush v36, $0x5;
	s6 =	spop (v2sf)  }
0xf6: {  	s6 =	sand.u32 $0x7FFFFC00, s6  }
0xf7: {  	s5 =	sadd.s32 s6, s5  }
0xf8: {  	s5 =	sshrl.u32 s5, $0x3  }
0xf9: {  	(v2sf) =	vpush v35, $0x7;
	s6 =	spop (v2sf);
	s5 =	sadd.s32 s2, s5  }
0xfa: {  	(v2sf) =	vpush v35, $0x6;
	[tilespmem:s14], [sflag:$0x1] =	stream.strided.gather [hbm4b:s5+s9], $0x1000, s12, s9, $0x38;
	[tilespmem:$0x10C00] =	vst v63  }
0xfb: {  	s5 =	sand.u32 $0x7FFFFC00, s6  }
0xfc: {  	(v2sf) =	vpush v36, $0x6;
	s4 =	sadd.s32 s5, s4  }
0xfd: {  	s5 =	spop (v2sf);
	s4 =	sshrl.u32 s4, $0x3  }
0xfe: {  	s6 =	spop (v2sf);
	s4 =	sadd.s32 s2, s4  }
0xff: {  	[tilespmem:s15], [sflag:$0x1] =	stream.strided.gather [hbm4b:s4+s9], $0x1000, s12, s9, $0x38;
	[tilespmem:$0x10C00] =	vst v63  }
0x100: {  	(v2sf) =	vpush v36, $0x7;
	s4 =	spop (v2sf)  }
0x101: {  	s4 =	sand.u32 $0x7FFFFC00, s4  }
0x102: {  	s4 =	sadd.s32 s4, s6  }
0x103: {  	s4 =	sshrl.u32 s4, $0x3  }
0x104: {  	s4 =	sadd.s32 s2, s4;
	s6 =	spop (v2sf)  }
0x105: {  	[tilespmem:s16], [sflag:$0x1] =	stream.strided.gather [hbm4b:s4+s9], $0x1000, s12, s9, $0x38;
	[tilespmem:$0x10C00] =	vst v63  }
0x106: {  	s6 =	sand.u32 $0x7FFFFC00, s6  }
0x107: {  	s4 =	sadd.s32 s6, s5  }
0x108: {  	s5 =	spop (v2sf);
	s4 =	sshrl.u32 s4, $0x3  }
0x109: {  	s6 =	spop (v2sf);
	s4 =	sadd.s32 s2, s4  }
0x10a: {  	[tilespmem:s17], [sflag:$0x1] =	stream.strided.gather [hbm4b:s4+s9], $0x1000, s12, s9, $0x38;
	[tilespmem:$0x10C00] =	vst v63  }
0x10b: {  	s4 =	spop (v2sf)  }
0x10c: {  	s4 =	sand.u32 $0x7FFFFC00, s4  }
0x10d: {  	s4 =	sadd.s32 s4, s6  }
0x10e: {  	s4 =	sshrl.u32 s4, $0x3  }
0x10f: {  	s6 =	spop (v2sf);
	s4 =	sadd.s32 s2, s4  }
0x110: {  	[tilespmem:s18], [sflag:$0x1] =	stream.strided.gather [hbm4b:s4+s9], $0x1000, s12, s9, $0x38;
	[tilespmem:$0x10C00] =	vst v63  }
0x111: {  	s4 =	sand.u32 $0x7FFFFC00, s6  }
0x112: {  	s4 =	sadd.s32 s4, s5  }
0x113: {  	s4 =	sshrl.u32 s4, $0x3  }
0x114: {  	s4 =	sadd.s32 s2, s4  }
0x115: {  	[tilespmem:s19], [sflag:$0x1] =	stream.strided.gather [hbm4b:s4+s9], $0x1000, s12, s9, $0x38;
	[tilespmem:$0x10C00] =	vst v63  }
.LBB2_4:
0x116: {  	_ =	swait.ge [sflag:s30], $0x1000  }
0x117: {  	[sflag:s30] =	ssyncset.done $0x0  }
0x118: {  	[sflag:s30] =	ssyncadd.s32 $0xFFFFF000  }
0x119: {  	_ =	swait.ge [sflag:s30], $0x1000  }
0x11a: {  	[sflag:s30] =	ssyncset.done $0x0  }
0x11b: {  	[sflag:s30] =	ssyncadd.s32 $0xFFFFF000  }
0x11c: {  	_ =	swait.ge [sflag:s30], $0x1000  }
0x11d: {  	[sflag:s30] =	ssyncset.done $0x0  }
0x11e: {  	[sflag:s30] =	ssyncadd.s32 $0xFFFFF000  }
0x11f: {  	_ =	swait.ge [sflag:s30], $0x1000  }
0x120: {  	[sflag:s30] =	ssyncset.done $0x0  }
0x121: {  	[sflag:s30] =	ssyncadd.s32 $0xFFFFF000  }
0x122: {  	_ =	swait.ge [sflag:s30], $0x1000  }
0x123: {  	[sflag:s30] =	ssyncset.done $0x0  }
0x124: {  	[sflag:s30] =	ssyncadd.s32 $0xFFFFF000  }
0x125: {  	_ =	swait.ge [sflag:s30], $0x1000  }
0x126: {  	[sflag:s30] =	ssyncset.done $0x0  }
0x127: {  	v35 =	vbroadcast v34, $0x8;
	[sflag:s30] =	ssyncadd.s32 $0xFFFFF000  }
0x128: {  	_ =	swait.ge [sflag:s30], $0x1000  }
0x129: {  	v36 =	vor.u32 v16, v35;
	[sflag:s30] =	ssyncset.done $0x0  }
0x12a: {  	[sflag:s30] =	ssyncadd.s32 $0xFFFFF000  }
0x12b: {  	_ =	swait.ge [sflag:s30], $0x1000  }
0x12c: {  	[sflag:s30] =	ssyncset.done $0x0  }
0x12d: {  	[sflag:s30] =	ssyncadd.s32 $0xFFFFF000  }
0x12e: {  	v36 =	vld.idx.msk [tilespmem:v36+s9+$0x0], $0xffff  }
0x12f: {  	v35 =	vor.u32 v17, v35;
	_ =	sdelay $0x3  }
0x130: {  	v51 =	vbroadcast v34, $0x9;
	[tilespmem:$0x10800] =	vst v36  }
0x131: {  	v35 =	vld.idx.msk [tilespmem:v35+s9+$0x0], $0xffff  }
0x132: {  	v37 =	vor.u32 v18, v51;
	_ =	sdelay $0x3  }
0x133: {  	[tilespmem:$0x10810] =	vst v35  }
0x134: {  	v35 =	vld.idx.msk [tilespmem:v37+s9+$0x0], $0xffff  }
0x135: {  	v36 =	vor.u32 v19, v51;
	_ =	sdelay $0x3  }
0x136: {  	v52 =	vbroadcast v34, $0xA;
	[tilespmem:$0x10880] =	vst v35  }
0x137: {  	v36 =	vld.idx.msk [tilespmem:v36+s9+$0x0], $0xffff  }
0x138: {  	v53 =	vor.u32 v20, v52;
	_ =	sdelay $0x3  }
0x139: {  	[tilespmem:$0x10890] =	vst v36  }
0x13a: {  	v36 =	vld.idx.msk [tilespmem:v53+s9+$0x0], $0xffff  }
0x13b: {  	v35 =	vor.u32 v21, v52;
	_ =	sdelay $0x3  }
0x13c: {  	v54 =	vbroadcast v34, $0xB;
	[tilespmem:$0x10900] =	vst v36  }
0x13d: {  	v35 =	vld.idx.msk [tilespmem:v35+s9+$0x0], $0xffff  }
0x13e: {  	v55 =	vor.u32 v22, v54;
	_ =	sdelay $0x3  }
0x13f: {  	[tilespmem:$0x10910] =	vst v35  }
0x140: {  	v35 =	vld.idx.msk [tilespmem:v55+s9+$0x0], $0xffff  }
0x141: {  	v36 =	vor.u32 v23, v54;
	_ =	sdelay $0x3  }
0x142: {  	v56 =	vbroadcast v34, $0xC;
	[tilespmem:$0x10980] =	vst v35  }
0x143: {  	v36 =	vld.idx.msk [tilespmem:v36+s9+$0x0], $0xffff  }
0x144: {  	v57 =	vor.u32 v24, v56;
	_ =	sdelay $0x3  }
0x145: {  	[tilespmem:$0x10990] =	vst v36  }
0x146: {  	v36 =	vld.idx.msk [tilespmem:v57+s9+$0x0], $0xffff  }
0x147: {  	v35 =	vor.u32 v25, v56;
	_ =	sdelay $0x3  }
0x148: {  	v58 =	vbroadcast v34, $0xD;
	[tilespmem:$0x10A00] =	vst v36  }
0x149: {  	v35 =	vld.idx.msk [tilespmem:v35+s9+$0x0], $0xffff  }
0x14a: {  	v59 =	vor.u32 v26, v58;
	_ =	sdelay $0x3  }
0x14b: {  	[tilespmem:$0x10A10] =	vst v35  }
0x14c: {  	v35 =	vld.idx.msk [tilespmem:v59+s9+$0x0], $0xffff  }
0x14d: {  	v36 =	vor.u32 v27, v58;
	_ =	sdelay $0x3  }
0x14e: {  	v60 =	vbroadcast v34, $0xE;
	[tilespmem:$0x10A80] =	vst v35  }
0x14f: {  	v36 =	vld.idx.msk [tilespmem:v36+s9+$0x0], $0xffff  }
0x150: {  	v61 =	vor.u32 v28, v60;
	_ =	sdelay $0x3  }
0x151: {  	[tilespmem:$0x10A90] =	vst v36  }
0x152: {  	v36 =	vld.idx.msk [tilespmem:v61+s9+$0x0], $0xffff  }
0x153: {  	v35 =	vor.u32 v29, v60;
	_ =	sdelay $0x3  }
0x154: {  	v62 =	vbroadcast v34, $0xF;
	[tilespmem:$0x10B00] =	vst v36  }
0x155: {  	v35 =	vld.idx.msk [tilespmem:v35+s9+$0x0], $0xffff  }
0x156: {  	v63 =	vor.u32 v30, v62;
	_ =	sdelay $0x3  }
0x157: {  	[tilespmem:$0x10B10] =	vst v35  }
0x158: {  	v35 =	vld.idx.msk [tilespmem:v63+s9+$0x0], $0xffff  }
0x159: {  	v34 =	vor.u32 v31, v62;
	_ =	sdelay $0x3  }
0x15a: {  	[tilespmem:$0x10B80] =	vst v35  }
0x15b: {  	v34 =	vld.idx.msk [tilespmem:v34+s9+$0x0], $0xffff  }
.Ltmp5:
0x15c: {  	_ = 	snop;
	(pc) =	sbr.rel @p0 .LBB2_6-.Ltmp5, $2  }
0x15d: {  	_ =	sdelay $0x2  }
0x15e: {  	[tilespmem:$0x10B90] =	vst v34  }
0x15f: {  	v33 =	vmul.u32 $0x30E000, v33;
	_ =	sdelay $0x1  }
0x160: {  	(v2sf) =	vpush v33, $0x9  }
0x161: {  	(v2sf) =	vpush v33, $0x8  }
0x162: {  	v34 =	vshll.u32 v32, $0x3  }
0x163: {  	(v2sf) =	vpush v34, $0x8;
	_ =	sdelay $0x3  }
0x164: {  	(v2sf) =	vpush v34, $0x9;
	_ =	sdelay $0x6  }
0x165: {  	(v2sf) =	vpush v33, $0xB  }
0x166: {  	s4 =	spop (v2sf);
	(v2sf) =	vpush v33, $0xA  }
0x167: {  	s5 =	spop (v2sf);
	(v2sf) =	vpush v34, $0xA;
	_ =	sdelay $0x1  }
0x168: {  	s6 =	spop (v2sf)  }
0x169: {  	s6 =	sand.u32 $0x7FFFFC00, s6  }
0x16a: {  	(v2sf) =	vpush v34, $0xB;
	s5 =	sadd.s32 s6, s5  }
0x16b: {  	s5 =	sshrl.u32 s5, $0x3  }
0x16c: {  	s6 =	spop (v2sf);
	s5 =	sadd.s32 s2, s5  }
0x16d: {  	[tilespmem:s20], [sflag:$0x2] =	stream.strided.gather [hbm4b:s5+s9], $0x1000, s12, s9, $0x38;
	[tilespmem:$0x10C00] =	vst v63  }
0x16e: {  	(v2sf) =	vpush v33, $0xD;
	s5 =	sand.u32 $0x7FFFFC00, s6  }
0x16f: {  	(v2sf) =	vpush v33, $0xC;
	s4 =	sadd.s32 s5, s4  }
0x170: {  	s4 =	sshrl.u32 s4, $0x3  }
0x171: {  	(v2sf) =	vpush v34, $0xC;
	s4 =	sadd.s32 s2, s4  }
0x172: {  	[tilespmem:s21], [sflag:$0x2] =	stream.strided.gather [hbm4b:s4+s9], $0x1000, s12, s9, $0x38;
	[tilespmem:$0x10C00] =	vst v63  }
0x173: {  	s4 =	spop (v2sf)  }
0x174: {  	s5 =	spop (v2sf)  }
0x175: {  	(v2sf) =	vpush v34, $0xD;
	s6 =	spop (v2sf)  }
0x176: {  	s6 =	sand.u32 $0x7FFFFC00, s6  }
0x177: {  	s5 =	sadd.s32 s6, s5  }
0x178: {  	s5 =	sshrl.u32 s5, $0x3  }
0x179: {  	(v2sf) =	vpush v33, $0xF;
	s6 =	spop (v2sf);
	s5 =	sadd.s32 s2, s5  }
0x17a: {  	(v2sf) =	vpush v33, $0xE;
	[tilespmem:s22], [sflag:$0x2] =	stream.strided.gather [hbm4b:s5+s9], $0x1000, s12, s9, $0x38;
	[tilespmem:$0x10C00] =	vst v63  }
0x17b: {  	s5 =	sand.u32 $0x7FFFFC00, s6  }
0x17c: {  	(v2sf) =	vpush v34, $0xE;
	s4 =	sadd.s32 s5, s4  }
0x17d: {  	s5 =	spop (v2sf);
	s4 =	sshrl.u32 s4, $0x3  }
0x17e: {  	s6 =	spop (v2sf);
	s4 =	sadd.s32 s2, s4  }
0x17f: {  	[tilespmem:s23], [sflag:$0x2] =	stream.strided.gather [hbm4b:s4+s9], $0x1000, s12, s9, $0x38;
	[tilespmem:$0x10C00] =	vst v63  }
0x180: {  	(v2sf) =	vpush v34, $0xF;
	s4 =	spop (v2sf)  }
0x181: {  	s4 =	sand.u32 $0x7FFFFC00, s4  }
0x182: {  	s4 =	sadd.s32 s4, s6  }
0x183: {  	s4 =	sshrl.u32 s4, $0x3  }
0x184: {  	s4 =	sadd.s32 s2, s4;
	s6 =	spop (v2sf)  }
0x185: {  	[tilespmem:s24], [sflag:$0x2] =	stream.strided.gather [hbm4b:s4+s9], $0x1000, s12, s9, $0x38;
	[tilespmem:$0x10C00] =	vst v63  }
0x186: {  	s6 =	sand.u32 $0x7FFFFC00, s6  }
0x187: {  	s4 =	sadd.s32 s6, s5  }
0x188: {  	s5 =	spop (v2sf);
	s4 =	sshrl.u32 s4, $0x3  }
0x189: {  	s6 =	spop (v2sf);
	s4 =	sadd.s32 s2, s4  }
0x18a: {  	[tilespmem:s25], [sflag:$0x2] =	stream.strided.gather [hbm4b:s4+s9], $0x1000, s12, s9, $0x38;
	[tilespmem:$0x10C00] =	vst v63  }
0x18b: {  	s4 =	spop (v2sf)  }
0x18c: {  	s4 =	sand.u32 $0x7FFFFC00, s4  }
0x18d: {  	s4 =	sadd.s32 s4, s6  }
0x18e: {  	s4 =	sshrl.u32 s4, $0x3  }
0x18f: {  	s6 =	spop (v2sf);
	s4 =	sadd.s32 s2, s4  }
0x190: {  	[tilespmem:s26], [sflag:$0x2] =	stream.strided.gather [hbm4b:s4+s9], $0x1000, s12, s9, $0x38;
	[tilespmem:$0x10C00] =	vst v63  }
.Ltmp6:
0x191: {  	s4 =	sand.u32 $0x7FFFFC00, s6;
	(pc) =	sbr.rel .LBB2_6-.Ltmp6, $4  }
0x192: {  	s4 =	sadd.s32 s4, s5  }
0x193: {  	s4 =	sshrl.u32 s4, $0x3  }
0x194: {  	s4 =	sadd.s32 s2, s4  }
0x195: {  	[tilespmem:s28], [sflag:$0x2] =	stream.strided.gather [hbm4b:s4+s9], $0x1000, s12, s9, $0x38;
	[tilespmem:$0x10C00] =	vst v63  }
.LBB2_8:
0x196: {  	_ =	sfence.sel $0x180000  }
0x197: {  	[bflag:$0x0] =	sbarrier.arrive $0xFFFF  }
0x198: {  	_ =	strace $0x90000047  }
0x199: {  	s0 =	stileid.u32;
	[bflag:$0x2] =	sbarrier.arrive $0xFFFF  }
0x19a: {  	p0 =	sne.s32 s0, $0x0;
	s0 =	rddreg [dreg:$0x3]  }
0x19b: {  	s0 =	sadd.s32 @!p0 $0x100000, s0  }
0x19c: {  	[sflag:s0] =	ssyncadd.tile.s32 @!p0 $0x1;
	_ =	shalt  }
.Lfunc_end2:
_tile_overlayer_lowered:
.L_overlay_start_2:
0x19d: {  	(tag) =	ssettag $0x2  }
0x19e: {  	s0 =	rddreg [dreg:$0x0];
	s2 =	stileid.u32  }
0x19f: {  	s1 =	rddreg [dreg:$0x1];
	p0 =	sne.s32 s2, $0x0  }
0x1a0: {  	s3 =	rddreg [dreg:$0x2];
	[bflag:$0x3] =	sbarrier.arrive $0xFFFF;
	s2 =	simm.s32 @!p0 $0x1C04  }
0x1a1: {  	[timem:s3], [sflag:s2] =	dma.local @!p0 [hbm:s0], s1  }
0x1a2: {  	s0 =	simm.s32 @!p0 $0x4  }
0x1a3: {  	_ =	swait.ge @!p0 [sflag:s0], s1  }
0x1a4: {  	s1 =	ssub.s32 @!p0 $0x0, s1;
	[sflag:s0] =	ssyncset.done @!p0 $0x0  }
0x1a5: {  	[sflag:s0] =	ssyncadd.s32 @!p0 s1  }
0x1a6: {  	[bflag:$0x3] =	sbarrier.arrive $0xFFFF  }
0x1a7: {  	_ =	shalt  }

</sc_bundles>
